<compile_context>
chip_gen: v7x
topology: tpu7x:2x2x1
jax: 0.10.2.dev20260603
libtpu: 0.0.44.dev20260713+nightly
codegen_flags: <defaults>
</compile_context>

<pallas_src>
import functools

import jax
import jax.numpy as jnp
from jax import lax
from jax.experimental import pallas as pl
from jax.experimental.pallas import tpu as pltpu
from jax.experimental.pallas import tpu_sc as plsc


def kernel(x, table):
    b, s, d = x.shape
    n = b * s
    xf = x.reshape(n, d)
    nw = 32
    rows_per_w = n // nw
    ch = 32
    nch = rows_per_w // ch
    mesh = plsc.VectorSubcoreMesh(core_axis_name="c", subcore_axis_name="s")

    @functools.partial(
        pl.kernel,
        mesh=mesh,
        out_type=jax.ShapeDtypeStruct((n, d), jnp.float32),
        scratch_types=[
            pltpu.VMEM((2, ch, d), jnp.float32),
            pltpu.SemaphoreType.DMA,
            pltpu.SemaphoreType.DMA,
        ],
    )
    def k(x_hbm, out_hbm, buf, sem_in, sem_out):
        c = lax.axis_index("c")
        sc = lax.axis_index("s")
        wid = sc * 2 + c
        base = wid * rows_per_w
        hin = [None] * nch
        hout = [None] * nch
        hin[0] = pltpu.async_copy(x_hbm.at[pl.ds(base, ch)], buf.at[0], sem_in)
        for g in range(nch):
            slot = g % 2
            nxt = (g + 1) % 2
            hin[g].wait()
            hout[g] = pltpu.async_copy(
                buf.at[slot], out_hbm.at[pl.ds(base + g * ch, ch)], sem_out
            )
            if g + 1 < nch:
                if g >= 1:
                    hout[g - 1].wait()
                hin[g + 1] = pltpu.async_copy(
                    x_hbm.at[pl.ds(base + (g + 1) * ch, ch)], buf.at[nxt], sem_in
                )
        if nch >= 2:
            hout[nch - 2].wait()
        hout[nch - 1].wait()

    out = k(xf)
    return out.reshape(b, s, d)

# --- scband reference (transcript-rebuilt; emitter-appended) ---
"""Pipeline reference for scband-positional-encoder-66829691126127 (READ-ONLY COPY).

The authoritative reference and input builder live on the scoring server;
editing this copy changes nothing except your own understanding.
"""

import jax, jax.numpy as jnp
import numpy as np

SEQ_LENGTH = 2048
INPUT_SIZE = 1024
BATCH = 4

def setup_inputs(seed: int = 0) -> dict:
    key = jax.random.key(seed)
    k1, k2 = jax.random.split(key)
    x = jax.random.normal(k1, (BATCH, SEQ_LENGTH, INPUT_SIZE), dtype=jnp.float32)
    # nn.Embedding(seq_length * 2, input_size) weight, default init N(0,1)
    table = jax.random.normal(k2, (SEQ_LENGTH * 2, INPUT_SIZE), dtype=jnp.float32)
    return {"x": x, "table": table}

def reference(x, table):
    batch_size, seq_length, input_size = x.shape
    positions = jnp.arange(seq_length, dtype=jnp.int32)
    # embedding lookup: gather rows of the table
    position_embeddings = jnp.take(table, positions, axis=0)  # [S, D]
    # broadcast over batch like expand(batch_size, -1)
    return x + position_embeddings[None, :, :]

if __name__ == "__main__":
    import jax
    _d = setup_inputs()
    print(jax.jit(kernel)(*tuple(_d.values())))

</pallas_src>

<mosaic_0001>
#map = affine_map<(d0, d1) -> (0, 0)>
module attributes {stable_mosaic.version = 14 : i64} {
  func.func @k(%arg0: i32, %arg1: i32, %arg2: memref<8192x1024xf32, #tpu.memory_space<hbm>>, %arg3: memref<8192x1024xf32, #tpu.memory_space<hbm>>, %arg4: memref<2x32x1024xf32, #tpu.memory_space<vmem>>, %arg5: memref<!tpu.dma_semaphore, #tpu.memory_space<semaphore_mem>>, %arg6: memref<!tpu.dma_semaphore, #tpu.memory_space<semaphore_mem>>) attributes {dimension_semantics = [#tpu.dimension_semantics<core_parallel>, #tpu.dimension_semantics<subcore_parallel>], iteration_bounds = array<i64: 2, 16>, scalar_prefetch = 0 : i64, scratch_operands = 3 : i64, tpu.core_type = #tpu.core_type<sc_vector_subcore>, window_params = [{transform_indices = #map}, {transform_indices = #map}]} {
    %mul3A = arith.constant 2 : i32
    %mul3A_0 = arith.muli %arg1, %mul3A : i32
    %add3A = arith.addi %mul3A_0, %arg0 : i32
    %mul3A_1 = arith.constant 256 : i32
    %mul3A_2 = arith.muli %add3A, %mul3A_1 : i32
    %dma_start3A = arith.constant 0 : i32
    %dma_start3A_3 = arith.constant 0 : i32
    %dma_start3A_4 = arith.constant 0 : i32
    %dma_start3A_5 = tpu.memref_slice %arg4[%dma_start3A, %dma_start3A_3, %dma_start3A_4] : memref<2x32x1024xf32, #tpu.memory_space<vmem>> -> memref<1x32x1024xf32, #tpu.memory_space<vmem>>
    %dma_start3A_6 = tpu.memref_squeeze %dma_start3A_5 : memref<1x32x1024xf32, #tpu.memory_space<vmem>> -> memref<32x1024xf32, #tpu.memory_space<vmem>>
    %dma_start3A_7 = arith.constant 0 : i32
    %dma_start3A_8 = tpu.memref_slice %arg2[%mul3A_2, %dma_start3A_7] : memref<8192x1024xf32, #tpu.memory_space<hbm>> -> memref<32x1024xf32, #tpu.memory_space<hbm>>
    %dma_start3A_9 = arith.constant 0 : i32
    %dma_start3A_10 = arith.constant 0 : i32
    %dma_start3A_11 = tpu.memref_slice %arg4[%dma_start3A, %dma_start3A_9, %dma_start3A_10] : memref<2x32x1024xf32, #tpu.memory_space<vmem>> -> memref<1x32x1024xf32, #tpu.memory_space<vmem>>
    %dma_start3A_12 = tpu.memref_squeeze %dma_start3A_11 : memref<1x32x1024xf32, #tpu.memory_space<vmem>> -> memref<32x1024xf32, #tpu.memory_space<vmem>>
    %dma_start3A_13 = arith.constant 0 : i32
    %dma_start3A_14 = tpu.memref_slice %arg2[%mul3A_2, %dma_start3A_13] : memref<8192x1024xf32, #tpu.memory_space<hbm>> -> memref<32x1024xf32, #tpu.memory_space<hbm>>
    tpu.enqueue_dma source(%dma_start3A_14 : memref<32x1024xf32, #tpu.memory_space<hbm>>) target(%dma_start3A_12 : memref<32x1024xf32, #tpu.memory_space<vmem>>) target_semaphore(%arg5 : memref<!tpu.dma_semaphore, #tpu.memory_space<semaphore_mem>>)
    %dma_wait3A = arith.constant 0 : i32
    %dma_wait3A_15 = arith.constant 0 : i32
    %dma_wait3A_16 = arith.constant 0 : i32
    %dma_wait3A_17 = tpu.memref_slice %arg4[%dma_wait3A, %dma_wait3A_15, %dma_wait3A_16] : memref<2x32x1024xf32, #tpu.memory_space<vmem>> -> memref<1x32x1024xf32, #tpu.memory_space<vmem>>
    %dma_wait3A_18 = tpu.memref_squeeze %dma_wait3A_17 : memref<1x32x1024xf32, #tpu.memory_space<vmem>> -> memref<32x1024xf32, #tpu.memory_space<vmem>>
    %dma_wait3A_19 = arith.constant 0 : i32
    %dma_wait3A_20 = tpu.memref_slice %arg2[%mul3A_2, %dma_wait3A_19] : memref<8192x1024xf32, #tpu.memory_space<hbm>> -> memref<32x1024xf32, #tpu.memory_space<hbm>>
    %dma_wait3A_21 = arith.constant 0 : i32
    %dma_wait3A_22 = arith.constant 0 : i32
    %dma_wait3A_23 = tpu.memref_slice %arg4[%dma_wait3A, %dma_wait3A_21, %dma_wait3A_22] : memref<2x32x1024xf32, #tpu.memory_space<vmem>> -> memref<1x32x1024xf32, #tpu.memory_space<vmem>>
    %dma_wait3A_24 = tpu.memref_squeeze %dma_wait3A_23 : memref<1x32x1024xf32, #tpu.memory_space<vmem>> -> memref<32x1024xf32, #tpu.memory_space<vmem>>
    %dma_wait3A_25 = arith.constant 0 : i32
    %dma_wait3A_26 = tpu.memref_slice %arg2[%mul3A_2, %dma_wait3A_25] : memref<8192x1024xf32, #tpu.memory_space<hbm>> -> memref<32x1024xf32, #tpu.memory_space<hbm>>
    tpu.wait_dma2 semaphore(%arg5 : memref<!tpu.dma_semaphore, #tpu.memory_space<semaphore_mem>>) src(%dma_wait3A_26 : memref<32x1024xf32, #tpu.memory_space<hbm>>) dst(%dma_wait3A_24 : memref<32x1024xf32, #tpu.memory_space<vmem>>)
    %add3A_27 = arith.constant 0 : i32
    %add3A_28 = arith.addi %mul3A_2, %add3A_27 : i32
    %dma_start3A_29 = arith.constant 0 : i32
    %dma_start3A_30 = arith.constant 0 : i32
    %dma_start3A_31 = arith.constant 0 : i32
    %dma_start3A_32 = tpu.memref_slice %arg4[%dma_start3A_29, %dma_start3A_30, %dma_start3A_31] : memref<2x32x1024xf32, #tpu.memory_space<vmem>> -> memref<1x32x1024xf32, #tpu.memory_space<vmem>>
    %dma_start3A_33 = tpu.memref_squeeze %dma_start3A_32 : memref<1x32x1024xf32, #tpu.memory_space<vmem>> -> memref<32x1024xf32, #tpu.memory_space<vmem>>
    %dma_start3A_34 = arith.constant 0 : i32
    %dma_start3A_35 = tpu.memref_slice %arg3[%add3A_28, %dma_start3A_34] : memref<8192x1024xf32, #tpu.memory_space<hbm>> -> memref<32x1024xf32, #tpu.memory_space<hbm>>
    %dma_start3A_36 = arith.constant 0 : i32
    %dma_start3A_37 = tpu.memref_slice %arg3[%add3A_28, %dma_start3A_36] : memref<8192x1024xf32, #tpu.memory_space<hbm>> -> memref<32x1024xf32, #tpu.memory_space<hbm>>
    %dma_start3A_38 = arith.constant 0 : i32
    %dma_start3A_39 = arith.constant 0 : i32
    %dma_start3A_40 = tpu.memref_slice %arg4[%dma_start3A_29, %dma_start3A_38, %dma_start3A_39] : memref<2x32x1024xf32, #tpu.memory_space<vmem>> -> memref<1x32x1024xf32, #tpu.memory_space<vmem>>
    %dma_start3A_41 = tpu.memref_squeeze %dma_start3A_40 : memref<1x32x1024xf32, #tpu.memory_space<vmem>> -> memref<32x1024xf32, #tpu.memory_space<vmem>>
    tpu.enqueue_dma source(%dma_start3A_41 : memref<32x1024xf32, #tpu.memory_space<vmem>>) target(%dma_start3A_37 : memref<32x1024xf32, #tpu.memory_space<hbm>>) target_semaphore(%arg6 : memref<!tpu.dma_semaphore, #tpu.memory_space<semaphore_mem>>)
    %add3A_42 = arith.constant 32 : i32
    %add3A_43 = arith.addi %mul3A_2, %add3A_42 : i32
    %dma_start3A_44 = arith.constant 1 : i32
    %dma_start3A_45 = arith.constant 0 : i32
    %dma_start3A_46 = arith.constant 0 : i32
    %dma_start3A_47 = tpu.memref_slice %arg4[%dma_start3A_44, %dma_start3A_45, %dma_start3A_46] : memref<2x32x1024xf32, #tpu.memory_space<vmem>> -> memref<1x32x1024xf32, #tpu.memory_space<vmem>>
    %dma_start3A_48 = tpu.memref_squeeze %dma_start3A_47 : memref<1x32x1024xf32, #tpu.memory_space<vmem>> -> memref<32x1024xf32, #tpu.memory_space<vmem>>
    %dma_start3A_49 = arith.constant 0 : i32
    %dma_start3A_50 = tpu.memref_slice %arg2[%add3A_43, %dma_start3A_49] : memref<8192x1024xf32, #tpu.memory_space<hbm>> -> memref<32x1024xf32, #tpu.memory_space<hbm>>
    %dma_start3A_51 = arith.constant 0 : i32
    %dma_start3A_52 = arith.constant 0 : i32
    %dma_start3A_53 = tpu.memref_slice %arg4[%dma_start3A_44, %dma_start3A_51, %dma_start3A_52] : memref<2x32x1024xf32, #tpu.memory_space<vmem>> -> memref<1x32x1024xf32, #tpu.memory_space<vmem>>
    %dma_start3A_54 = tpu.memref_squeeze %dma_start3A_53 : memref<1x32x1024xf32, #tpu.memory_space<vmem>> -> memref<32x1024xf32, #tpu.memory_space<vmem>>
    %dma_start3A_55 = arith.constant 0 : i32
    %dma_start3A_56 = tpu.memref_slice %arg2[%add3A_43, %dma_start3A_55] : memref<8192x1024xf32, #tpu.memory_space<hbm>> -> memref<32x1024xf32, #tpu.memory_space<hbm>>
    tpu.enqueue_dma source(%dma_start3A_56 : memref<32x1024xf32, #tpu.memory_space<hbm>>) target(%dma_start3A_54 : memref<32x1024xf32, #tpu.memory_space<vmem>>) target_semaphore(%arg5 : memref<!tpu.dma_semaphore, #tpu.memory_space<semaphore_mem>>)
    %dma_wait3A_57 = arith.constant 1 : i32
    %dma_wait3A_58 = arith.constant 0 : i32
    %dma_wait3A_59 = arith.constant 0 : i32
    %dma_wait3A_60 = tpu.memref_slice %arg4[%dma_wait3A_57, %dma_wait3A_58, %dma_wait3A_59] : memref<2x32x1024xf32, #tpu.memory_space<vmem>> -> memref<1x32x1024xf32, #tpu.memory_space<vmem>>
    %dma_wait3A_61 = tpu.memref_squeeze %dma_wait3A_60 : memref<1x32x1024xf32, #tpu.memory_space<vmem>> -> memref<32x1024xf32, #tpu.memory_space<vmem>>
    %dma_wait3A_62 = arith.constant 0 : i32
    %dma_wait3A_63 = tpu.memref_slice %arg2[%add3A_43, %dma_wait3A_62] : memref<8192x1024xf32, #tpu.memory_space<hbm>> -> memref<32x1024xf32, #tpu.memory_space<hbm>>
    %dma_wait3A_64 = arith.constant 0 : i32
    %dma_wait3A_65 = arith.constant 0 : i32
    %dma_wait3A_66 = tpu.memref_slice %arg4[%dma_wait3A_57, %dma_wait3A_64, %dma_wait3A_65] : memref<2x32x1024xf32, #tpu.memory_space<vmem>> -> memref<1x32x1024xf32, #tpu.memory_space<vmem>>
    %dma_wait3A_67 = tpu.memref_squeeze %dma_wait3A_66 : memref<1x32x1024xf32, #tpu.memory_space<vmem>> -> memref<32x1024xf32, #tpu.memory_space<vmem>>
    %dma_wait3A_68 = arith.constant 0 : i32
    %dma_wait3A_69 = tpu.memref_slice %arg2[%add3A_43, %dma_wait3A_68] : memref<8192x1024xf32, #tpu.memory_space<hbm>> -> memref<32x1024xf32, #tpu.memory_space<hbm>>
    tpu.wait_dma2 semaphore(%arg5 : memref<!tpu.dma_semaphore, #tpu.memory_space<semaphore_mem>>) src(%dma_wait3A_69 : memref<32x1024xf32, #tpu.memory_space<hbm>>) dst(%dma_wait3A_67 : memref<32x1024xf32, #tpu.memory_space<vmem>>)
    %add3A_70 = arith.constant 32 : i32
    %add3A_71 = arith.addi %mul3A_2, %add3A_70 : i32
    %dma_start3A_72 = arith.constant 1 : i32
    %dma_start3A_73 = arith.constant 0 : i32
    %dma_start3A_74 = arith.constant 0 : i32
    %dma_start3A_75 = tpu.memref_slice %arg4[%dma_start3A_72, %dma_start3A_73, %dma_start3A_74] : memref<2x32x1024xf32, #tpu.memory_space<vmem>> -> memref<1x32x1024xf32, #tpu.memory_space<vmem>>
    %dma_start3A_76 = tpu.memref_squeeze %dma_start3A_75 : memref<1x32x1024xf32, #tpu.memory_space<vmem>> -> memref<32x1024xf32, #tpu.memory_space<vmem>>
    %dma_start3A_77 = arith.constant 0 : i32
    %dma_start3A_78 = tpu.memref_slice %arg3[%add3A_71, %dma_start3A_77] : memref<8192x1024xf32, #tpu.memory_space<hbm>> -> memref<32x1024xf32, #tpu.memory_space<hbm>>
    %dma_start3A_79 = arith.constant 0 : i32
    %dma_start3A_80 = tpu.memref_slice %arg3[%add3A_71, %dma_start3A_79] : memref<8192x1024xf32, #tpu.memory_space<hbm>> -> memref<32x1024xf32, #tpu.memory_space<hbm>>
    %dma_start3A_81 = arith.constant 0 : i32
    %dma_start3A_82 = arith.constant 0 : i32
    %dma_start3A_83 = tpu.memref_slice %arg4[%dma_start3A_72, %dma_start3A_81, %dma_start3A_82] : memref<2x32x1024xf32, #tpu.memory_space<vmem>> -> memref<1x32x1024xf32, #tpu.memory_space<vmem>>
    %dma_start3A_84 = tpu.memref_squeeze %dma_start3A_83 : memref<1x32x1024xf32, #tpu.memory_space<vmem>> -> memref<32x1024xf32, #tpu.memory_space<vmem>>
    tpu.enqueue_dma source(%dma_start3A_84 : memref<32x1024xf32, #tpu.memory_space<vmem>>) target(%dma_start3A_80 : memref<32x1024xf32, #tpu.memory_space<hbm>>) target_semaphore(%arg6 : memref<!tpu.dma_semaphore, #tpu.memory_space<semaphore_mem>>)
    %dma_wait3A_85 = arith.constant 0 : i32
    %dma_wait3A_86 = arith.constant 0 : i32
    %dma_wait3A_87 = arith.constant 0 : i32
    %dma_wait3A_88 = tpu.memref_slice %arg4[%dma_wait3A_85, %dma_wait3A_86, %dma_wait3A_87] : memref<2x32x1024xf32, #tpu.memory_space<vmem>> -> memref<1x32x1024xf32, #tpu.memory_space<vmem>>
    %dma_wait3A_89 = tpu.memref_squeeze %dma_wait3A_88 : memref<1x32x1024xf32, #tpu.memory_space<vmem>> -> memref<32x1024xf32, #tpu.memory_space<vmem>>
    %dma_wait3A_90 = arith.constant 0 : i32
    %dma_wait3A_91 = tpu.memref_slice %arg3[%add3A_28, %dma_wait3A_90] : memref<8192x1024xf32, #tpu.memory_space<hbm>> -> memref<32x1024xf32, #tpu.memory_space<hbm>>
    %dma_wait3A_92 = arith.constant 0 : i32
    %dma_wait3A_93 = tpu.memref_slice %arg3[%add3A_28, %dma_wait3A_92] : memref<8192x1024xf32, #tpu.memory_space<hbm>> -> memref<32x1024xf32, #tpu.memory_space<hbm>>
    %dma_wait3A_94 = arith.constant 0 : i32
    %dma_wait3A_95 = arith.constant 0 : i32
    %dma_wait3A_96 = tpu.memref_slice %arg4[%dma_wait3A_85, %dma_wait3A_94, %dma_wait3A_95] : memref<2x32x1024xf32, #tpu.memory_space<vmem>> -> memref<1x32x1024xf32, #tpu.memory_space<vmem>>
    %dma_wait3A_97 = tpu.memref_squeeze %dma_wait3A_96 : memref<1x32x1024xf32, #tpu.memory_space<vmem>> -> memref<32x1024xf32, #tpu.memory_space<vmem>>
    tpu.wait_dma2 semaphore(%arg6 : memref<!tpu.dma_semaphore, #tpu.memory_space<semaphore_mem>>) src(%dma_wait3A_97 : memref<32x1024xf32, #tpu.memory_space<vmem>>) dst(%dma_wait3A_93 : memref<32x1024xf32, #tpu.memory_space<hbm>>)
    %add3A_98 = arith.constant 64 : i32
    %add3A_99 = arith.addi %mul3A_2, %add3A_98 : i32
    %dma_start3A_100 = arith.constant 0 : i32
    %dma_start3A_101 = arith.constant 0 : i32
    %dma_start3A_102 = arith.constant 0 : i32
    %dma_start3A_103 = tpu.memref_slice %arg4[%dma_start3A_100, %dma_start3A_101, %dma_start3A_102] : memref<2x32x1024xf32, #tpu.memory_space<vmem>> -> memref<1x32x1024xf32, #tpu.memory_space<vmem>>
    %dma_start3A_104 = tpu.memref_squeeze %dma_start3A_103 : memref<1x32x1024xf32, #tpu.memory_space<vmem>> -> memref<32x1024xf32, #tpu.memory_space<vmem>>
    %dma_start3A_105 = arith.constant 0 : i32
    %dma_start3A_106 = tpu.memref_slice %arg2[%add3A_99, %dma_start3A_105] : memref<8192x1024xf32, #tpu.memory_space<hbm>> -> memref<32x1024xf32, #tpu.memory_space<hbm>>
    %dma_start3A_107 = arith.constant 0 : i32
    %dma_start3A_108 = arith.constant 0 : i32
    %dma_start3A_109 = tpu.memref_slice %arg4[%dma_start3A_100, %dma_start3A_107, %dma_start3A_108] : memref<2x32x1024xf32, #tpu.memory_space<vmem>> -> memref<1x32x1024xf32, #tpu.memory_space<vmem>>
    %dma_start3A_110 = tpu.memref_squeeze %dma_start3A_109 : memref<1x32x1024xf32, #tpu.memory_space<vmem>> -> memref<32x1024xf32, #tpu.memory_space<vmem>>
    %dma_start3A_111 = arith.constant 0 : i32
    %dma_start3A_112 = tpu.memref_slice %arg2[%add3A_99, %dma_start3A_111] : memref<8192x1024xf32, #tpu.memory_space<hbm>> -> memref<32x1024xf32, #tpu.memory_space<hbm>>
    tpu.enqueue_dma source(%dma_start3A_112 : memref<32x1024xf32, #tpu.memory_space<hbm>>) target(%dma_start3A_110 : memref<32x1024xf32, #tpu.memory_space<vmem>>) target_semaphore(%arg5 : memref<!tpu.dma_semaphore, #tpu.memory_space<semaphore_mem>>)
    %dma_wait3A_113 = arith.constant 0 : i32
    %dma_wait3A_114 = arith.constant 0 : i32
    %dma_wait3A_115 = arith.constant 0 : i32
    %dma_wait3A_116 = tpu.memref_slice %arg4[%dma_wait3A_113, %dma_wait3A_114, %dma_wait3A_115] : memref<2x32x1024xf32, #tpu.memory_space<vmem>> -> memref<1x32x1024xf32, #tpu.memory_space<vmem>>
    %dma_wait3A_117 = tpu.memref_squeeze %dma_wait3A_116 : memref<1x32x1024xf32, #tpu.memory_space<vmem>> -> memref<32x1024xf32, #tpu.memory_space<vmem>>
    %dma_wait3A_118 = arith.constant 0 : i32
    %dma_wait3A_119 = tpu.memref_slice %arg2[%add3A_99, %dma_wait3A_118] : memref<8192x1024xf32, #tpu.memory_space<hbm>> -> memref<32x1024xf32, #tpu.memory_space<hbm>>
    %dma_wait3A_120 = arith.constant 0 : i32
    %dma_wait3A_121 = arith.constant 0 : i32
    %dma_wait3A_122 = tpu.memref_slice %arg4[%dma_wait3A_113, %dma_wait3A_120, %dma_wait3A_121] : memref<2x32x1024xf32, #tpu.memory_space<vmem>> -> memref<1x32x1024xf32, #tpu.memory_space<vmem>>
    %dma_wait3A_123 = tpu.memref_squeeze %dma_wait3A_122 : memref<1x32x1024xf32, #tpu.memory_space<vmem>> -> memref<32x1024xf32, #tpu.memory_space<vmem>>
    %dma_wait3A_124 = arith.constant 0 : i32
    %dma_wait3A_125 = tpu.memref_slice %arg2[%add3A_99, %dma_wait3A_124] : memref<8192x1024xf32, #tpu.memory_space<hbm>> -> memref<32x1024xf32, #tpu.memory_space<hbm>>
    tpu.wait_dma2 semaphore(%arg5 : memref<!tpu.dma_semaphore, #tpu.memory_space<semaphore_mem>>) src(%dma_wait3A_125 : memref<32x1024xf32, #tpu.memory_space<hbm>>) dst(%dma_wait3A_123 : memref<32x1024xf32, #tpu.memory_space<vmem>>)
    %add3A_126 = arith.constant 64 : i32
    %add3A_127 = arith.addi %mul3A_2, %add3A_126 : i32
    %dma_start3A_128 = arith.constant 0 : i32
    %dma_start3A_129 = arith.constant 0 : i32
    %dma_start3A_130 = arith.constant 0 : i32
    %dma_start3A_131 = tpu.memref_slice %arg4[%dma_start3A_128, %dma_start3A_129, %dma_start3A_130] : memref<2x32x1024xf32, #tpu.memory_space<vmem>> -> memref<1x32x1024xf32, #tpu.memory_space<vmem>>
    %dma_start3A_132 = tpu.memref_squeeze %dma_start3A_131 : memref<1x32x1024xf32, #tpu.memory_space<vmem>> -> memref<32x1024xf32, #tpu.memory_space<vmem>>
    %dma_start3A_133 = arith.constant 0 : i32
    %dma_start3A_134 = tpu.memref_slice %arg3[%add3A_127, %dma_start3A_133] : memref<8192x1024xf32, #tpu.memory_space<hbm>> -> memref<32x1024xf32, #tpu.memory_space<hbm>>
    %dma_start3A_135 = arith.constant 0 : i32
    %dma_start3A_136 = tpu.memref_slice %arg3[%add3A_127, %dma_start3A_135] : memref<8192x1024xf32, #tpu.memory_space<hbm>> -> memref<32x1024xf32, #tpu.memory_space<hbm>>
    %dma_start3A_137 = arith.constant 0 : i32
    %dma_start3A_138 = arith.constant 0 : i32
    %dma_start3A_139 = tpu.memref_slice %arg4[%dma_start3A_128, %dma_start3A_137, %dma_start3A_138] : memref<2x32x1024xf32, #tpu.memory_space<vmem>> -> memref<1x32x1024xf32, #tpu.memory_space<vmem>>
    %dma_start3A_140 = tpu.memref_squeeze %dma_start3A_139 : memref<1x32x1024xf32, #tpu.memory_space<vmem>> -> memref<32x1024xf32, #tpu.memory_space<vmem>>
    tpu.enqueue_dma source(%dma_start3A_140 : memref<32x1024xf32, #tpu.memory_space<vmem>>) target(%dma_start3A_136 : memref<32x1024xf32, #tpu.memory_space<hbm>>) target_semaphore(%arg6 : memref<!tpu.dma_semaphore, #tpu.memory_space<semaphore_mem>>)
    %dma_wait3A_141 = arith.constant 1 : i32
    %dma_wait3A_142 = arith.constant 0 : i32
    %dma_wait3A_143 = arith.constant 0 : i32
    %dma_wait3A_144 = tpu.memref_slice %arg4[%dma_wait3A_141, %dma_wait3A_142, %dma_wait3A_143] : memref<2x32x1024xf32, #tpu.memory_space<vmem>> -> memref<1x32x1024xf32, #tpu.memory_space<vmem>>
    %dma_wait3A_145 = tpu.memref_squeeze %dma_wait3A_144 : memref<1x32x1024xf32, #tpu.memory_space<vmem>> -> memref<32x1024xf32, #tpu.memory_space<vmem>>
    %dma_wait3A_146 = arith.constant 0 : i32
    %dma_wait3A_147 = tpu.memref_slice %arg3[%add3A_71, %dma_wait3A_146] : memref<8192x1024xf32, #tpu.memory_space<hbm>> -> memref<32x1024xf32, #tpu.memory_space<hbm>>
    %dma_wait3A_148 = arith.constant 0 : i32
    %dma_wait3A_149 = tpu.memref_slice %arg3[%add3A_71, %dma_wait3A_148] : memref<8192x1024xf32, #tpu.memory_space<hbm>> -> memref<32x1024xf32, #tpu.memory_space<hbm>>
    %dma_wait3A_150 = arith.constant 0 : i32
    %dma_wait3A_151 = arith.constant 0 : i32
    %dma_wait3A_152 = tpu.memref_slice %arg4[%dma_wait3A_141, %dma_wait3A_150, %dma_wait3A_151] : memref<2x32x1024xf32, #tpu.memory_space<vmem>> -> memref<1x32x1024xf32, #tpu.memory_space<vmem>>
    %dma_wait3A_153 = tpu.memref_squeeze %dma_wait3A_152 : memref<1x32x1024xf32, #tpu.memory_space<vmem>> -> memref<32x1024xf32, #tpu.memory_space<vmem>>
    tpu.wait_dma2 semaphore(%arg6 : memref<!tpu.dma_semaphore, #tpu.memory_space<semaphore_mem>>) src(%dma_wait3A_153 : memref<32x1024xf32, #tpu.memory_space<vmem>>) dst(%dma_wait3A_149 : memref<32x1024xf32, #tpu.memory_space<hbm>>)
    %add3A_154 = arith.constant 96 : i32
    %add3A_155 = arith.addi %mul3A_2, %add3A_154 : i32
    %dma_start3A_156 = arith.constant 1 : i32
    %dma_start3A_157 = arith.constant 0 : i32
    %dma_start3A_158 = arith.constant 0 : i32
    %dma_start3A_159 = tpu.memref_slice %arg4[%dma_start3A_156, %dma_start3A_157, %dma_start3A_158] : memref<2x32x1024xf32, #tpu.memory_space<vmem>> -> memref<1x32x1024xf32, #tpu.memory_space<vmem>>
    %dma_start3A_160 = tpu.memref_squeeze %dma_start3A_159 : memref<1x32x1024xf32, #tpu.memory_space<vmem>> -> memref<32x1024xf32, #tpu.memory_space<vmem>>
    %dma_start3A_161 = arith.constant 0 : i32
    %dma_start3A_162 = tpu.memref_slice %arg2[%add3A_155, %dma_start3A_161] : memref<8192x1024xf32, #tpu.memory_space<hbm>> -> memref<32x1024xf32, #tpu.memory_space<hbm>>
    %dma_start3A_163 = arith.constant 0 : i32
    %dma_start3A_164 = arith.constant 0 : i32
    %dma_start3A_165 = tpu.memref_slice %arg4[%dma_start3A_156, %dma_start3A_163, %dma_start3A_164] : memref<2x32x1024xf32, #tpu.memory_space<vmem>> -> memref<1x32x1024xf32, #tpu.memory_space<vmem>>
    %dma_start3A_166 = tpu.memref_squeeze %dma_start3A_165 : memref<1x32x1024xf32, #tpu.memory_space<vmem>> -> memref<32x1024xf32, #tpu.memory_space<vmem>>
    %dma_start3A_167 = arith.constant 0 : i32
    %dma_start3A_168 = tpu.memref_slice %arg2[%add3A_155, %dma_start3A_167] : memref<8192x1024xf32, #tpu.memory_space<hbm>> -> memref<32x1024xf32, #tpu.memory_space<hbm>>
    tpu.enqueue_dma source(%dma_start3A_168 : memref<32x1024xf32, #tpu.memory_space<hbm>>) target(%dma_start3A_166 : memref<32x1024xf32, #tpu.memory_space<vmem>>) target_semaphore(%arg5 : memref<!tpu.dma_semaphore, #tpu.memory_space<semaphore_mem>>)
    %dma_wait3A_169 = arith.constant 1 : i32
    %dma_wait3A_170 = arith.constant 0 : i32
    %dma_wait3A_171 = arith.constant 0 : i32
    %dma_wait3A_172 = tpu.memref_slice %arg4[%dma_wait3A_169, %dma_wait3A_170, %dma_wait3A_171] : memref<2x32x1024xf32, #tpu.memory_space<vmem>> -> memref<1x32x1024xf32, #tpu.memory_space<vmem>>
    %dma_wait3A_173 = tpu.memref_squeeze %dma_wait3A_172 : memref<1x32x1024xf32, #tpu.memory_space<vmem>> -> memref<32x1024xf32, #tpu.memory_space<vmem>>
    %dma_wait3A_174 = arith.constant 0 : i32
    %dma_wait3A_175 = tpu.memref_slice %arg2[%add3A_155, %dma_wait3A_174] : memref<8192x1024xf32, #tpu.memory_space<hbm>> -> memref<32x1024xf32, #tpu.memory_space<hbm>>
    %dma_wait3A_176 = arith.constant 0 : i32
    %dma_wait3A_177 = arith.constant 0 : i32
    %dma_wait3A_178 = tpu.memref_slice %arg4[%dma_wait3A_169, %dma_wait3A_176, %dma_wait3A_177] : memref<2x32x1024xf32, #tpu.memory_space<vmem>> -> memref<1x32x1024xf32, #tpu.memory_space<vmem>>
    %dma_wait3A_179 = tpu.memref_squeeze %dma_wait3A_178 : memref<1x32x1024xf32, #tpu.memory_space<vmem>> -> memref<32x1024xf32, #tpu.memory_space<vmem>>
    %dma_wait3A_180 = arith.constant 0 : i32
    %dma_wait3A_181 = tpu.memref_slice %arg2[%add3A_155, %dma_wait3A_180] : memref<8192x1024xf32, #tpu.memory_space<hbm>> -> memref<32x1024xf32, #tpu.memory_space<hbm>>
    tpu.wait_dma2 semaphore(%arg5 : memref<!tpu.dma_semaphore, #tpu.memory_space<semaphore_mem>>) src(%dma_wait3A_181 : memref<32x1024xf32, #tpu.memory_space<hbm>>) dst(%dma_wait3A_179 : memref<32x1024xf32, #tpu.memory_space<vmem>>)
    %add3A_182 = arith.constant 96 : i32
    %add3A_183 = arith.addi %mul3A_2, %add3A_182 : i32
    %dma_start3A_184 = arith.constant 1 : i32
    %dma_start3A_185 = arith.constant 0 : i32
    %dma_start3A_186 = arith.constant 0 : i32
    %dma_start3A_187 = tpu.memref_slice %arg4[%dma_start3A_184, %dma_start3A_185, %dma_start3A_186] : memref<2x32x1024xf32, #tpu.memory_space<vmem>> -> memref<1x32x1024xf32, #tpu.memory_space<vmem>>
    %dma_start3A_188 = tpu.memref_squeeze %dma_start3A_187 : memref<1x32x1024xf32, #tpu.memory_space<vmem>> -> memref<32x1024xf32, #tpu.memory_space<vmem>>
    %dma_start3A_189 = arith.constant 0 : i32
    %dma_start3A_190 = tpu.memref_slice %arg3[%add3A_183, %dma_start3A_189] : memref<8192x1024xf32, #tpu.memory_space<hbm>> -> memref<32x1024xf32, #tpu.memory_space<hbm>>
    %dma_start3A_191 = arith.constant 0 : i32
    %dma_start3A_192 = tpu.memref_slice %arg3[%add3A_183, %dma_start3A_191] : memref<8192x1024xf32, #tpu.memory_space<hbm>> -> memref<32x1024xf32, #tpu.memory_space<hbm>>
    %dma_start3A_193 = arith.constant 0 : i32
    %dma_start3A_194 = arith.constant 0 : i32
    %dma_start3A_195 = tpu.memref_slice %arg4[%dma_start3A_184, %dma_start3A_193, %dma_start3A_194] : memref<2x32x1024xf32, #tpu.memory_space<vmem>> -> memref<1x32x1024xf32, #tpu.memory_space<vmem>>
    %dma_start3A_196 = tpu.memref_squeeze %dma_start3A_195 : memref<1x32x1024xf32, #tpu.memory_space<vmem>> -> memref<32x1024xf32, #tpu.memory_space<vmem>>
    tpu.enqueue_dma source(%dma_start3A_196 : memref<32x1024xf32, #tpu.memory_space<vmem>>) target(%dma_start3A_192 : memref<32x1024xf32, #tpu.memory_space<hbm>>) target_semaphore(%arg6 : memref<!tpu.dma_semaphore, #tpu.memory_space<semaphore_mem>>)
    %dma_wait3A_197 = arith.constant 0 : i32
    %dma_wait3A_198 = arith.constant 0 : i32
    %dma_wait3A_199 = arith.constant 0 : i32
    %dma_wait3A_200 = tpu.memref_slice %arg4[%dma_wait3A_197, %dma_wait3A_198, %dma_wait3A_199] : memref<2x32x1024xf32, #tpu.memory_space<vmem>> -> memref<1x32x1024xf32, #tpu.memory_space<vmem>>
    %dma_wait3A_201 = tpu.memref_squeeze %dma_wait3A_200 : memref<1x32x1024xf32, #tpu.memory_space<vmem>> -> memref<32x1024xf32, #tpu.memory_space<vmem>>
    %dma_wait3A_202 = arith.constant 0 : i32
    %dma_wait3A_203 = tpu.memref_slice %arg3[%add3A_127, %dma_wait3A_202] : memref<8192x1024xf32, #tpu.memory_space<hbm>> -> memref<32x1024xf32, #tpu.memory_space<hbm>>
    %dma_wait3A_204 = arith.constant 0 : i32
    %dma_wait3A_205 = tpu.memref_slice %arg3[%add3A_127, %dma_wait3A_204] : memref<8192x1024xf32, #tpu.memory_space<hbm>> -> memref<32x1024xf32, #tpu.memory_space<hbm>>
    %dma_wait3A_206 = arith.constant 0 : i32
    %dma_wait3A_207 = arith.constant 0 : i32
    %dma_wait3A_208 = tpu.memref_slice %arg4[%dma_wait3A_197, %dma_wait3A_206, %dma_wait3A_207] : memref<2x32x1024xf32, #tpu.memory_space<vmem>> -> memref<1x32x1024xf32, #tpu.memory_space<vmem>>
    %dma_wait3A_209 = tpu.memref_squeeze %dma_wait3A_208 : memref<1x32x1024xf32, #tpu.memory_space<vmem>> -> memref<32x1024xf32, #tpu.memory_space<vmem>>
    tpu.wait_dma2 semaphore(%arg6 : memref<!tpu.dma_semaphore, #tpu.memory_space<semaphore_mem>>) src(%dma_wait3A_209 : memref<32x1024xf32, #tpu.memory_space<vmem>>) dst(%dma_wait3A_205 : memref<32x1024xf32, #tpu.memory_space<hbm>>)
    %add3A_210 = arith.constant 128 : i32
    %add3A_211 = arith.addi %mul3A_2, %add3A_210 : i32
    %dma_start3A_212 = arith.constant 0 : i32
    %dma_start3A_213 = arith.constant 0 : i32
    %dma_start3A_214 = arith.constant 0 : i32
    %dma_start3A_215 = tpu.memref_slice %arg4[%dma_start3A_212, %dma_start3A_213, %dma_start3A_214] : memref<2x32x1024xf32, #tpu.memory_space<vmem>> -> memref<1x32x1024xf32, #tpu.memory_space<vmem>>
    %dma_start3A_216 = tpu.memref_squeeze %dma_start3A_215 : memref<1x32x1024xf32, #tpu.memory_space<vmem>> -> memref<32x1024xf32, #tpu.memory_space<vmem>>
    %dma_start3A_217 = arith.constant 0 : i32
    %dma_start3A_218 = tpu.memref_slice %arg2[%add3A_211, %dma_start3A_217] : memref<8192x1024xf32, #tpu.memory_space<hbm>> -> memref<32x1024xf32, #tpu.memory_space<hbm>>
    %dma_start3A_219 = arith.constant 0 : i32
    %dma_start3A_220 = arith.constant 0 : i32
    %dma_start3A_221 = tpu.memref_slice %arg4[%dma_start3A_212, %dma_start3A_219, %dma_start3A_220] : memref<2x32x1024xf32, #tpu.memory_space<vmem>> -> memref<1x32x1024xf32, #tpu.memory_space<vmem>>
    %dma_start3A_222 = tpu.memref_squeeze %dma_start3A_221 : memref<1x32x1024xf32, #tpu.memory_space<vmem>> -> memref<32x1024xf32, #tpu.memory_space<vmem>>
    %dma_start3A_223 = arith.constant 0 : i32
    %dma_start3A_224 = tpu.memref_slice %arg2[%add3A_211, %dma_start3A_223] : memref<8192x1024xf32, #tpu.memory_space<hbm>> -> memref<32x1024xf32, #tpu.memory_space<hbm>>
    tpu.enqueue_dma source(%dma_start3A_224 : memref<32x1024xf32, #tpu.memory_space<hbm>>) target(%dma_start3A_222 : memref<32x1024xf32, #tpu.memory_space<vmem>>) target_semaphore(%arg5 : memref<!tpu.dma_semaphore, #tpu.memory_space<semaphore_mem>>)
    %dma_wait3A_225 = arith.constant 0 : i32
    %dma_wait3A_226 = arith.constant 0 : i32
    %dma_wait3A_227 = arith.constant 0 : i32
    %dma_wait3A_228 = tpu.memref_slice %arg4[%dma_wait3A_225, %dma_wait3A_226, %dma_wait3A_227] : memref<2x32x1024xf32, #tpu.memory_space<vmem>> -> memref<1x32x1024xf32, #tpu.memory_space<vmem>>
    %dma_wait3A_229 = tpu.memref_squeeze %dma_wait3A_228 : memref<1x32x1024xf32, #tpu.memory_space<vmem>> -> memref<32x1024xf32, #tpu.memory_space<vmem>>
    %dma_wait3A_230 = arith.constant 0 : i32
    %dma_wait3A_231 = tpu.memref_slice %arg2[%add3A_211, %dma_wait3A_230] : memref<8192x1024xf32, #tpu.memory_space<hbm>> -> memref<32x1024xf32, #tpu.memory_space<hbm>>
    %dma_wait3A_232 = arith.constant 0 : i32
    %dma_wait3A_233 = arith.constant 0 : i32
    %dma_wait3A_234 = tpu.memref_slice %arg4[%dma_wait3A_225, %dma_wait3A_232, %dma_wait3A_233] : memref<2x32x1024xf32, #tpu.memory_space<vmem>> -> memref<1x32x1024xf32, #tpu.memory_space<vmem>>
    %dma_wait3A_235 = tpu.memref_squeeze %dma_wait3A_234 : memref<1x32x1024xf32, #tpu.memory_space<vmem>> -> memref<32x1024xf32, #tpu.memory_space<vmem>>
    %dma_wait3A_236 = arith.constant 0 : i32
    %dma_wait3A_237 = tpu.memref_slice %arg2[%add3A_211, %dma_wait3A_236] : memref<8192x1024xf32, #tpu.memory_space<hbm>> -> memref<32x1024xf32, #tpu.memory_space<hbm>>
    tpu.wait_dma2 semaphore(%arg5 : memref<!tpu.dma_semaphore, #tpu.memory_space<semaphore_mem>>) src(%dma_wait3A_237 : memref<32x1024xf32, #tpu.memory_space<hbm>>) dst(%dma_wait3A_235 : memref<32x1024xf32, #tpu.memory_space<vmem>>)
    %add3A_238 = arith.constant 128 : i32
    %add3A_239 = arith.addi %mul3A_2, %add3A_238 : i32
    %dma_start3A_240 = arith.constant 0 : i32
    %dma_start3A_241 = arith.constant 0 : i32
    %dma_start3A_242 = arith.constant 0 : i32
    %dma_start3A_243 = tpu.memref_slice %arg4[%dma_start3A_240, %dma_start3A_241, %dma_start3A_242] : memref<2x32x1024xf32, #tpu.memory_space<vmem>> -> memref<1x32x1024xf32, #tpu.memory_space<vmem>>
    %dma_start3A_244 = tpu.memref_squeeze %dma_start3A_243 : memref<1x32x1024xf32, #tpu.memory_space<vmem>> -> memref<32x1024xf32, #tpu.memory_space<vmem>>
    %dma_start3A_245 = arith.constant 0 : i32
    %dma_start3A_246 = tpu.memref_slice %arg3[%add3A_239, %dma_start3A_245] : memref<8192x1024xf32, #tpu.memory_space<hbm>> -> memref<32x1024xf32, #tpu.memory_space<hbm>>
    %dma_start3A_247 = arith.constant 0 : i32
    %dma_start3A_248 = tpu.memref_slice %arg3[%add3A_239, %dma_start3A_247] : memref<8192x1024xf32, #tpu.memory_space<hbm>> -> memref<32x1024xf32, #tpu.memory_space<hbm>>
    %dma_start3A_249 = arith.constant 0 : i32
    %dma_start3A_250 = arith.constant 0 : i32
    %dma_start3A_251 = tpu.memref_slice %arg4[%dma_start3A_240, %dma_start3A_249, %dma_start3A_250] : memref<2x32x1024xf32, #tpu.memory_space<vmem>> -> memref<1x32x1024xf32, #tpu.memory_space<vmem>>
    %dma_start3A_252 = tpu.memref_squeeze %dma_start3A_251 : memref<1x32x1024xf32, #tpu.memory_space<vmem>> -> memref<32x1024xf32, #tpu.memory_space<vmem>>
    tpu.enqueue_dma source(%dma_start3A_252 : memref<32x1024xf32, #tpu.memory_space<vmem>>) target(%dma_start3A_248 : memref<32x1024xf32, #tpu.memory_space<hbm>>) target_semaphore(%arg6 : memref<!tpu.dma_semaphore, #tpu.memory_space<semaphore_mem>>)
    %dma_wait3A_253 = arith.constant 1 : i32
    %dma_wait3A_254 = arith.constant 0 : i32
    %dma_wait3A_255 = arith.constant 0 : i32
    %dma_wait3A_256 = tpu.memref_slice %arg4[%dma_wait3A_253, %dma_wait3A_254, %dma_wait3A_255] : memref<2x32x1024xf32, #tpu.memory_space<vmem>> -> memref<1x32x1024xf32, #tpu.memory_space<vmem>>
    %dma_wait3A_257 = tpu.memref_squeeze %dma_wait3A_256 : memref<1x32x1024xf32, #tpu.memory_space<vmem>> -> memref<32x1024xf32, #tpu.memory_space<vmem>>
    %dma_wait3A_258 = arith.constant 0 : i32
    %dma_wait3A_259 = tpu.memref_slice %arg3[%add3A_183, %dma_wait3A_258] : memref<8192x1024xf32, #tpu.memory_space<hbm>> -> memref<32x1024xf32, #tpu.memory_space<hbm>>
    %dma_wait3A_260 = arith.constant 0 : i32
    %dma_wait3A_261 = tpu.memref_slice %arg3[%add3A_183, %dma_wait3A_260] : memref<8192x1024xf32, #tpu.memory_space<hbm>> -> memref<32x1024xf32, #tpu.memory_space<hbm>>
    %dma_wait3A_262 = arith.constant 0 : i32
    %dma_wait3A_263 = arith.constant 0 : i32
    %dma_wait3A_264 = tpu.memref_slice %arg4[%dma_wait3A_253, %dma_wait3A_262, %dma_wait3A_263] : memref<2x32x1024xf32, #tpu.memory_space<vmem>> -> memref<1x32x1024xf32, #tpu.memory_space<vmem>>
    %dma_wait3A_265 = tpu.memref_squeeze %dma_wait3A_264 : memref<1x32x1024xf32, #tpu.memory_space<vmem>> -> memref<32x1024xf32, #tpu.memory_space<vmem>>
    tpu.wait_dma2 semaphore(%arg6 : memref<!tpu.dma_semaphore, #tpu.memory_space<semaphore_mem>>) src(%dma_wait3A_265 : memref<32x1024xf32, #tpu.memory_space<vmem>>) dst(%dma_wait3A_261 : memref<32x1024xf32, #tpu.memory_space<hbm>>)
    %add3A_266 = arith.constant 160 : i32
    %add3A_267 = arith.addi %mul3A_2, %add3A_266 : i32
    %dma_start3A_268 = arith.constant 1 : i32
    %dma_start3A_269 = arith.constant 0 : i32
    %dma_start3A_270 = arith.constant 0 : i32
    %dma_start3A_271 = tpu.memref_slice %arg4[%dma_start3A_268, %dma_start3A_269, %dma_start3A_270] : memref<2x32x1024xf32, #tpu.memory_space<vmem>> -> memref<1x32x1024xf32, #tpu.memory_space<vmem>>
    %dma_start3A_272 = tpu.memref_squeeze %dma_start3A_271 : memref<1x32x1024xf32, #tpu.memory_space<vmem>> -> memref<32x1024xf32, #tpu.memory_space<vmem>>
    %dma_start3A_273 = arith.constant 0 : i32
    %dma_start3A_274 = tpu.memref_slice %arg2[%add3A_267, %dma_start3A_273] : memref<8192x1024xf32, #tpu.memory_space<hbm>> -> memref<32x1024xf32, #tpu.memory_space<hbm>>
    %dma_start3A_275 = arith.constant 0 : i32
    %dma_start3A_276 = arith.constant 0 : i32
    %dma_start3A_277 = tpu.memref_slice %arg4[%dma_start3A_268, %dma_start3A_275, %dma_start3A_276] : memref<2x32x1024xf32, #tpu.memory_space<vmem>> -> memref<1x32x1024xf32, #tpu.memory_space<vmem>>
    %dma_start3A_278 = tpu.memref_squeeze %dma_start3A_277 : memref<1x32x1024xf32, #tpu.memory_space<vmem>> -> memref<32x1024xf32, #tpu.memory_space<vmem>>
    %dma_start3A_279 = arith.constant 0 : i32
    %dma_start3A_280 = tpu.memref_slice %arg2[%add3A_267, %dma_start3A_279] : memref<8192x1024xf32, #tpu.memory_space<hbm>> -> memref<32x1024xf32, #tpu.memory_space<hbm>>
    tpu.enqueue_dma source(%dma_start3A_280 : memref<32x1024xf32, #tpu.memory_space<hbm>>) target(%dma_start3A_278 : memref<32x1024xf32, #tpu.memory_space<vmem>>) target_semaphore(%arg5 : memref<!tpu.dma_semaphore, #tpu.memory_space<semaphore_mem>>)
    %dma_wait3A_281 = arith.constant 1 : i32
    %dma_wait3A_282 = arith.constant 0 : i32
    %dma_wait3A_283 = arith.constant 0 : i32
    %dma_wait3A_284 = tpu.memref_slice %arg4[%dma_wait3A_281, %dma_wait3A_282, %dma_wait3A_283] : memref<2x32x1024xf32, #tpu.memory_space<vmem>> -> memref<1x32x1024xf32, #tpu.memory_space<vmem>>
    %dma_wait3A_285 = tpu.memref_squeeze %dma_wait3A_284 : memref<1x32x1024xf32, #tpu.memory_space<vmem>> -> memref<32x1024xf32, #tpu.memory_space<vmem>>
    %dma_wait3A_286 = arith.constant 0 : i32
    %dma_wait3A_287 = tpu.memref_slice %arg2[%add3A_267, %dma_wait3A_286] : memref<8192x1024xf32, #tpu.memory_space<hbm>> -> memref<32x1024xf32, #tpu.memory_space<hbm>>
    %dma_wait3A_288 = arith.constant 0 : i32
    %dma_wait3A_289 = arith.constant 0 : i32
    %dma_wait3A_290 = tpu.memref_slice %arg4[%dma_wait3A_281, %dma_wait3A_288, %dma_wait3A_289] : memref<2x32x1024xf32, #tpu.memory_space<vmem>> -> memref<1x32x1024xf32, #tpu.memory_space<vmem>>
    %dma_wait3A_291 = tpu.memref_squeeze %dma_wait3A_290 : memref<1x32x1024xf32, #tpu.memory_space<vmem>> -> memref<32x1024xf32, #tpu.memory_space<vmem>>
    %dma_wait3A_292 = arith.constant 0 : i32
    %dma_wait3A_293 = tpu.memref_slice %arg2[%add3A_267, %dma_wait3A_292] : memref<8192x1024xf32, #tpu.memory_space<hbm>> -> memref<32x1024xf32, #tpu.memory_space<hbm>>
    tpu.wait_dma2 semaphore(%arg5 : memref<!tpu.dma_semaphore, #tpu.memory_space<semaphore_mem>>) src(%dma_wait3A_293 : memref<32x1024xf32, #tpu.memory_space<hbm>>) dst(%dma_wait3A_291 : memref<32x1024xf32, #tpu.memory_space<vmem>>)
    %add3A_294 = arith.constant 160 : i32
    %add3A_295 = arith.addi %mul3A_2, %add3A_294 : i32
    %dma_start3A_296 = arith.constant 1 : i32
    %dma_start3A_297 = arith.constant 0 : i32
    %dma_start3A_298 = arith.constant 0 : i32
    %dma_start3A_299 = tpu.memref_slice %arg4[%dma_start3A_296, %dma_start3A_297, %dma_start3A_298] : memref<2x32x1024xf32, #tpu.memory_space<vmem>> -> memref<1x32x1024xf32, #tpu.memory_space<vmem>>
    %dma_start3A_300 = tpu.memref_squeeze %dma_start3A_299 : memref<1x32x1024xf32, #tpu.memory_space<vmem>> -> memref<32x1024xf32, #tpu.memory_space<vmem>>
    %dma_start3A_301 = arith.constant 0 : i32
    %dma_start3A_302 = tpu.memref_slice %arg3[%add3A_295, %dma_start3A_301] : memref<8192x1024xf32, #tpu.memory_space<hbm>> -> memref<32x1024xf32, #tpu.memory_space<hbm>>
    %dma_start3A_303 = arith.constant 0 : i32
    %dma_start3A_304 = tpu.memref_slice %arg3[%add3A_295, %dma_start3A_303] : memref<8192x1024xf32, #tpu.memory_space<hbm>> -> memref<32x1024xf32, #tpu.memory_space<hbm>>
    %dma_start3A_305 = arith.constant 0 : i32
    %dma_start3A_306 = arith.constant 0 : i32
    %dma_start3A_307 = tpu.memref_slice %arg4[%dma_start3A_296, %dma_start3A_305, %dma_start3A_306] : memref<2x32x1024xf32, #tpu.memory_space<vmem>> -> memref<1x32x1024xf32, #tpu.memory_space<vmem>>
    %dma_start3A_308 = tpu.memref_squeeze %dma_start3A_307 : memref<1x32x1024xf32, #tpu.memory_space<vmem>> -> memref<32x1024xf32, #tpu.memory_space<vmem>>
    tpu.enqueue_dma source(%dma_start3A_308 : memref<32x1024xf32, #tpu.memory_space<vmem>>) target(%dma_start3A_304 : memref<32x1024xf32, #tpu.memory_space<hbm>>) target_semaphore(%arg6 : memref<!tpu.dma_semaphore, #tpu.memory_space<semaphore_mem>>)
    %dma_wait3A_309 = arith.constant 0 : i32
    %dma_wait3A_310 = arith.constant 0 : i32
    %dma_wait3A_311 = arith.constant 0 : i32
    %dma_wait3A_312 = tpu.memref_slice %arg4[%dma_wait3A_309, %dma_wait3A_310, %dma_wait3A_311] : memref<2x32x1024xf32, #tpu.memory_space<vmem>> -> memref<1x32x1024xf32, #tpu.memory_space<vmem>>
    %dma_wait3A_313 = tpu.memref_squeeze %dma_wait3A_312 : memref<1x32x1024xf32, #tpu.memory_space<vmem>> -> memref<32x1024xf32, #tpu.memory_space<vmem>>
    %dma_wait3A_314 = arith.constant 0 : i32
    %dma_wait3A_315 = tpu.memref_slice %arg3[%add3A_239, %dma_wait3A_314] : memref<8192x1024xf32, #tpu.memory_space<hbm>> -> memref<32x1024xf32, #tpu.memory_space<hbm>>
    %dma_wait3A_316 = arith.constant 0 : i32
    %dma_wait3A_317 = tpu.memref_slice %arg3[%add3A_239, %dma_wait3A_316] : memref<8192x1024xf32, #tpu.memory_space<hbm>> -> memref<32x1024xf32, #tpu.memory_space<hbm>>
    %dma_wait3A_318 = arith.constant 0 : i32
    %dma_wait3A_319 = arith.constant 0 : i32
    %dma_wait3A_320 = tpu.memref_slice %arg4[%dma_wait3A_309, %dma_wait3A_318, %dma_wait3A_319] : memref<2x32x1024xf32, #tpu.memory_space<vmem>> -> memref<1x32x1024xf32, #tpu.memory_space<vmem>>
    %dma_wait3A_321 = tpu.memref_squeeze %dma_wait3A_320 : memref<1x32x1024xf32, #tpu.memory_space<vmem>> -> memref<32x1024xf32, #tpu.memory_space<vmem>>
    tpu.wait_dma2 semaphore(%arg6 : memref<!tpu.dma_semaphore, #tpu.memory_space<semaphore_mem>>) src(%dma_wait3A_321 : memref<32x1024xf32, #tpu.memory_space<vmem>>) dst(%dma_wait3A_317 : memref<32x1024xf32, #tpu.memory_space<hbm>>)
    %add3A_322 = arith.constant 192 : i32
    %add3A_323 = arith.addi %mul3A_2, %add3A_322 : i32
    %dma_start3A_324 = arith.constant 0 : i32
    %dma_start3A_325 = arith.constant 0 : i32
    %dma_start3A_326 = arith.constant 0 : i32
    %dma_start3A_327 = tpu.memref_slice %arg4[%dma_start3A_324, %dma_start3A_325, %dma_start3A_326] : memref<2x32x1024xf32, #tpu.memory_space<vmem>> -> memref<1x32x1024xf32, #tpu.memory_space<vmem>>
    %dma_start3A_328 = tpu.memref_squeeze %dma_start3A_327 : memref<1x32x1024xf32, #tpu.memory_space<vmem>> -> memref<32x1024xf32, #tpu.memory_space<vmem>>
    %dma_start3A_329 = arith.constant 0 : i32
    %dma_start3A_330 = tpu.memref_slice %arg2[%add3A_323, %dma_start3A_329] : memref<8192x1024xf32, #tpu.memory_space<hbm>> -> memref<32x1024xf32, #tpu.memory_space<hbm>>
    %dma_start3A_331 = arith.constant 0 : i32
    %dma_start3A_332 = arith.constant 0 : i32
    %dma_start3A_333 = tpu.memref_slice %arg4[%dma_start3A_324, %dma_start3A_331, %dma_start3A_332] : memref<2x32x1024xf32, #tpu.memory_space<vmem>> -> memref<1x32x1024xf32, #tpu.memory_space<vmem>>
    %dma_start3A_334 = tpu.memref_squeeze %dma_start3A_333 : memref<1x32x1024xf32, #tpu.memory_space<vmem>> -> memref<32x1024xf32, #tpu.memory_space<vmem>>
    %dma_start3A_335 = arith.constant 0 : i32
    %dma_start3A_336 = tpu.memref_slice %arg2[%add3A_323, %dma_start3A_335] : memref<8192x1024xf32, #tpu.memory_space<hbm>> -> memref<32x1024xf32, #tpu.memory_space<hbm>>
    tpu.enqueue_dma source(%dma_start3A_336 : memref<32x1024xf32, #tpu.memory_space<hbm>>) target(%dma_start3A_334 : memref<32x1024xf32, #tpu.memory_space<vmem>>) target_semaphore(%arg5 : memref<!tpu.dma_semaphore, #tpu.memory_space<semaphore_mem>>)
    %dma_wait3A_337 = arith.constant 0 : i32
    %dma_wait3A_338 = arith.constant 0 : i32
    %dma_wait3A_339 = arith.constant 0 : i32
    %dma_wait3A_340 = tpu.memref_slice %arg4[%dma_wait3A_337, %dma_wait3A_338, %dma_wait3A_339] : memref<2x32x1024xf32, #tpu.memory_space<vmem>> -> memref<1x32x1024xf32, #tpu.memory_space<vmem>>
    %dma_wait3A_341 = tpu.memref_squeeze %dma_wait3A_340 : memref<1x32x1024xf32, #tpu.memory_space<vmem>> -> memref<32x1024xf32, #tpu.memory_space<vmem>>
    %dma_wait3A_342 = arith.constant 0 : i32
    %dma_wait3A_343 = tpu.memref_slice %arg2[%add3A_323, %dma_wait3A_342] : memref<8192x1024xf32, #tpu.memory_space<hbm>> -> memref<32x1024xf32, #tpu.memory_space<hbm>>
    %dma_wait3A_344 = arith.constant 0 : i32
    %dma_wait3A_345 = arith.constant 0 : i32
    %dma_wait3A_346 = tpu.memref_slice %arg4[%dma_wait3A_337, %dma_wait3A_344, %dma_wait3A_345] : memref<2x32x1024xf32, #tpu.memory_space<vmem>> -> memref<1x32x1024xf32, #tpu.memory_space<vmem>>
    %dma_wait3A_347 = tpu.memref_squeeze %dma_wait3A_346 : memref<1x32x1024xf32, #tpu.memory_space<vmem>> -> memref<32x1024xf32, #tpu.memory_space<vmem>>
    %dma_wait3A_348 = arith.constant 0 : i32
    %dma_wait3A_349 = tpu.memref_slice %arg2[%add3A_323, %dma_wait3A_348] : memref<8192x1024xf32, #tpu.memory_space<hbm>> -> memref<32x1024xf32, #tpu.memory_space<hbm>>
    tpu.wait_dma2 semaphore(%arg5 : memref<!tpu.dma_semaphore, #tpu.memory_space<semaphore_mem>>) src(%dma_wait3A_349 : memref<32x1024xf32, #tpu.memory_space<hbm>>) dst(%dma_wait3A_347 : memref<32x1024xf32, #tpu.memory_space<vmem>>)
    %add3A_350 = arith.constant 192 : i32
    %add3A_351 = arith.addi %mul3A_2, %add3A_350 : i32
    %dma_start3A_352 = arith.constant 0 : i32
    %dma_start3A_353 = arith.constant 0 : i32
    %dma_start3A_354 = arith.constant 0 : i32
    %dma_start3A_355 = tpu.memref_slice %arg4[%dma_start3A_352, %dma_start3A_353, %dma_start3A_354] : memref<2x32x1024xf32, #tpu.memory_space<vmem>> -> memref<1x32x1024xf32, #tpu.memory_space<vmem>>
    %dma_start3A_356 = tpu.memref_squeeze %dma_start3A_355 : memref<1x32x1024xf32, #tpu.memory_space<vmem>> -> memref<32x1024xf32, #tpu.memory_space<vmem>>
    %dma_start3A_357 = arith.constant 0 : i32
    %dma_start3A_358 = tpu.memref_slice %arg3[%add3A_351, %dma_start3A_357] : memref<8192x1024xf32, #tpu.memory_space<hbm>> -> memref<32x1024xf32, #tpu.memory_space<hbm>>
    %dma_start3A_359 = arith.constant 0 : i32
    %dma_start3A_360 = tpu.memref_slice %arg3[%add3A_351, %dma_start3A_359] : memref<8192x1024xf32, #tpu.memory_space<hbm>> -> memref<32x1024xf32, #tpu.memory_space<hbm>>
    %dma_start3A_361 = arith.constant 0 : i32
    %dma_start3A_362 = arith.constant 0 : i32
    %dma_start3A_363 = tpu.memref_slice %arg4[%dma_start3A_352, %dma_start3A_361, %dma_start3A_362] : memref<2x32x1024xf32, #tpu.memory_space<vmem>> -> memref<1x32x1024xf32, #tpu.memory_space<vmem>>
    %dma_start3A_364 = tpu.memref_squeeze %dma_start3A_363 : memref<1x32x1024xf32, #tpu.memory_space<vmem>> -> memref<32x1024xf32, #tpu.memory_space<vmem>>
    tpu.enqueue_dma source(%dma_start3A_364 : memref<32x1024xf32, #tpu.memory_space<vmem>>) target(%dma_start3A_360 : memref<32x1024xf32, #tpu.memory_space<hbm>>) target_semaphore(%arg6 : memref<!tpu.dma_semaphore, #tpu.memory_space<semaphore_mem>>)
    %dma_wait3A_365 = arith.constant 1 : i32
    %dma_wait3A_366 = arith.constant 0 : i32
    %dma_wait3A_367 = arith.constant 0 : i32
    %dma_wait3A_368 = tpu.memref_slice %arg4[%dma_wait3A_365, %dma_wait3A_366, %dma_wait3A_367] : memref<2x32x1024xf32, #tpu.memory_space<vmem>> -> memref<1x32x1024xf32, #tpu.memory_space<vmem>>
    %dma_wait3A_369 = tpu.memref_squeeze %dma_wait3A_368 : memref<1x32x1024xf32, #tpu.memory_space<vmem>> -> memref<32x1024xf32, #tpu.memory_space<vmem>>
    %dma_wait3A_370 = arith.constant 0 : i32
    %dma_wait3A_371 = tpu.memref_slice %arg3[%add3A_295, %dma_wait3A_370] : memref<8192x1024xf32, #tpu.memory_space<hbm>> -> memref<32x1024xf32, #tpu.memory_space<hbm>>
    %dma_wait3A_372 = arith.constant 0 : i32
    %dma_wait3A_373 = tpu.memref_slice %arg3[%add3A_295, %dma_wait3A_372] : memref<8192x1024xf32, #tpu.memory_space<hbm>> -> memref<32x1024xf32, #tpu.memory_space<hbm>>
    %dma_wait3A_374 = arith.constant 0 : i32
    %dma_wait3A_375 = arith.constant 0 : i32
    %dma_wait3A_376 = tpu.memref_slice %arg4[%dma_wait3A_365, %dma_wait3A_374, %dma_wait3A_375] : memref<2x32x1024xf32, #tpu.memory_space<vmem>> -> memref<1x32x1024xf32, #tpu.memory_space<vmem>>
    %dma_wait3A_377 = tpu.memref_squeeze %dma_wait3A_376 : memref<1x32x1024xf32, #tpu.memory_space<vmem>> -> memref<32x1024xf32, #tpu.memory_space<vmem>>
    tpu.wait_dma2 semaphore(%arg6 : memref<!tpu.dma_semaphore, #tpu.memory_space<semaphore_mem>>) src(%dma_wait3A_377 : memref<32x1024xf32, #tpu.memory_space<vmem>>) dst(%dma_wait3A_373 : memref<32x1024xf32, #tpu.memory_space<hbm>>)
    %add3A_378 = arith.constant 224 : i32
    %add3A_379 = arith.addi %mul3A_2, %add3A_378 : i32
    %dma_start3A_380 = arith.constant 1 : i32
    %dma_start3A_381 = arith.constant 0 : i32
    %dma_start3A_382 = arith.constant 0 : i32
    %dma_start3A_383 = tpu.memref_slice %arg4[%dma_start3A_380, %dma_start3A_381, %dma_start3A_382] : memref<2x32x1024xf32, #tpu.memory_space<vmem>> -> memref<1x32x1024xf32, #tpu.memory_space<vmem>>
    %dma_start3A_384 = tpu.memref_squeeze %dma_start3A_383 : memref<1x32x1024xf32, #tpu.memory_space<vmem>> -> memref<32x1024xf32, #tpu.memory_space<vmem>>
    %dma_start3A_385 = arith.constant 0 : i32
    %dma_start3A_386 = tpu.memref_slice %arg2[%add3A_379, %dma_start3A_385] : memref<8192x1024xf32, #tpu.memory_space<hbm>> -> memref<32x1024xf32, #tpu.memory_space<hbm>>
    %dma_start3A_387 = arith.constant 0 : i32
    %dma_start3A_388 = arith.constant 0 : i32
    %dma_start3A_389 = tpu.memref_slice %arg4[%dma_start3A_380, %dma_start3A_387, %dma_start3A_388] : memref<2x32x1024xf32, #tpu.memory_space<vmem>> -> memref<1x32x1024xf32, #tpu.memory_space<vmem>>
    %dma_start3A_390 = tpu.memref_squeeze %dma_start3A_389 : memref<1x32x1024xf32, #tpu.memory_space<vmem>> -> memref<32x1024xf32, #tpu.memory_space<vmem>>
    %dma_start3A_391 = arith.constant 0 : i32
    %dma_start3A_392 = tpu.memref_slice %arg2[%add3A_379, %dma_start3A_391] : memref<8192x1024xf32, #tpu.memory_space<hbm>> -> memref<32x1024xf32, #tpu.memory_space<hbm>>
    tpu.enqueue_dma source(%dma_start3A_392 : memref<32x1024xf32, #tpu.memory_space<hbm>>) target(%dma_start3A_390 : memref<32x1024xf32, #tpu.memory_space<vmem>>) target_semaphore(%arg5 : memref<!tpu.dma_semaphore, #tpu.memory_space<semaphore_mem>>)
    %dma_wait3A_393 = arith.constant 1 : i32
    %dma_wait3A_394 = arith.constant 0 : i32
    %dma_wait3A_395 = arith.constant 0 : i32
    %dma_wait3A_396 = tpu.memref_slice %arg4[%dma_wait3A_393, %dma_wait3A_394, %dma_wait3A_395] : memref<2x32x1024xf32, #tpu.memory_space<vmem>> -> memref<1x32x1024xf32, #tpu.memory_space<vmem>>
    %dma_wait3A_397 = tpu.memref_squeeze %dma_wait3A_396 : memref<1x32x1024xf32, #tpu.memory_space<vmem>> -> memref<32x1024xf32, #tpu.memory_space<vmem>>
    %dma_wait3A_398 = arith.constant 0 : i32
    %dma_wait3A_399 = tpu.memref_slice %arg2[%add3A_379, %dma_wait3A_398] : memref<8192x1024xf32, #tpu.memory_space<hbm>> -> memref<32x1024xf32, #tpu.memory_space<hbm>>
    %dma_wait3A_400 = arith.constant 0 : i32
    %dma_wait3A_401 = arith.constant 0 : i32
    %dma_wait3A_402 = tpu.memref_slice %arg4[%dma_wait3A_393, %dma_wait3A_400, %dma_wait3A_401] : memref<2x32x1024xf32, #tpu.memory_space<vmem>> -> memref<1x32x1024xf32, #tpu.memory_space<vmem>>
    %dma_wait3A_403 = tpu.memref_squeeze %dma_wait3A_402 : memref<1x32x1024xf32, #tpu.memory_space<vmem>> -> memref<32x1024xf32, #tpu.memory_space<vmem>>
    %dma_wait3A_404 = arith.constant 0 : i32
    %dma_wait3A_405 = tpu.memref_slice %arg2[%add3A_379, %dma_wait3A_404] : memref<8192x1024xf32, #tpu.memory_space<hbm>> -> memref<32x1024xf32, #tpu.memory_space<hbm>>
    tpu.wait_dma2 semaphore(%arg5 : memref<!tpu.dma_semaphore, #tpu.memory_space<semaphore_mem>>) src(%dma_wait3A_405 : memref<32x1024xf32, #tpu.memory_space<hbm>>) dst(%dma_wait3A_403 : memref<32x1024xf32, #tpu.memory_space<vmem>>)
    %add3A_406 = arith.constant 224 : i32
    %add3A_407 = arith.addi %mul3A_2, %add3A_406 : i32
    %dma_start3A_408 = arith.constant 1 : i32
    %dma_start3A_409 = arith.constant 0 : i32
    %dma_start3A_410 = arith.constant 0 : i32
    %dma_start3A_411 = tpu.memref_slice %arg4[%dma_start3A_408, %dma_start3A_409, %dma_start3A_410] : memref<2x32x1024xf32, #tpu.memory_space<vmem>> -> memref<1x32x1024xf32, #tpu.memory_space<vmem>>
    %dma_start3A_412 = tpu.memref_squeeze %dma_start3A_411 : memref<1x32x1024xf32, #tpu.memory_space<vmem>> -> memref<32x1024xf32, #tpu.memory_space<vmem>>
    %dma_start3A_413 = arith.constant 0 : i32
    %dma_start3A_414 = tpu.memref_slice %arg3[%add3A_407, %dma_start3A_413] : memref<8192x1024xf32, #tpu.memory_space<hbm>> -> memref<32x1024xf32, #tpu.memory_space<hbm>>
    %dma_start3A_415 = arith.constant 0 : i32
    %dma_start3A_416 = tpu.memref_slice %arg3[%add3A_407, %dma_start3A_415] : memref<8192x1024xf32, #tpu.memory_space<hbm>> -> memref<32x1024xf32, #tpu.memory_space<hbm>>
    %dma_start3A_417 = arith.constant 0 : i32
    %dma_start3A_418 = arith.constant 0 : i32
    %dma_start3A_419 = tpu.memref_slice %arg4[%dma_start3A_408, %dma_start3A_417, %dma_start3A_418] : memref<2x32x1024xf32, #tpu.memory_space<vmem>> -> memref<1x32x1024xf32, #tpu.memory_space<vmem>>
    %dma_start3A_420 = tpu.memref_squeeze %dma_start3A_419 : memref<1x32x1024xf32, #tpu.memory_space<vmem>> -> memref<32x1024xf32, #tpu.memory_space<vmem>>
    tpu.enqueue_dma source(%dma_start3A_420 : memref<32x1024xf32, #tpu.memory_space<vmem>>) target(%dma_start3A_416 : memref<32x1024xf32, #tpu.memory_space<hbm>>) target_semaphore(%arg6 : memref<!tpu.dma_semaphore, #tpu.memory_space<semaphore_mem>>)
    %dma_wait3A_421 = arith.constant 0 : i32
    %dma_wait3A_422 = arith.constant 0 : i32
    %dma_wait3A_423 = arith.constant 0 : i32
    %dma_wait3A_424 = tpu.memref_slice %arg4[%dma_wait3A_421, %dma_wait3A_422, %dma_wait3A_423] : memref<2x32x1024xf32, #tpu.memory_space<vmem>> -> memref<1x32x1024xf32, #tpu.memory_space<vmem>>
    %dma_wait3A_425 = tpu.memref_squeeze %dma_wait3A_424 : memref<1x32x1024xf32, #tpu.memory_space<vmem>> -> memref<32x1024xf32, #tpu.memory_space<vmem>>
    %dma_wait3A_426 = arith.constant 0 : i32
    %dma_wait3A_427 = tpu.memref_slice %arg3[%add3A_351, %dma_wait3A_426] : memref<8192x1024xf32, #tpu.memory_space<hbm>> -> memref<32x1024xf32, #tpu.memory_space<hbm>>
    %dma_wait3A_428 = arith.constant 0 : i32
    %dma_wait3A_429 = tpu.memref_slice %arg3[%add3A_351, %dma_wait3A_428] : memref<8192x1024xf32, #tpu.memory_space<hbm>> -> memref<32x1024xf32, #tpu.memory_space<hbm>>
    %dma_wait3A_430 = arith.constant 0 : i32
    %dma_wait3A_431 = arith.constant 0 : i32
    %dma_wait3A_432 = tpu.memref_slice %arg4[%dma_wait3A_421, %dma_wait3A_430, %dma_wait3A_431] : memref<2x32x1024xf32, #tpu.memory_space<vmem>> -> memref<1x32x1024xf32, #tpu.memory_space<vmem>>
    %dma_wait3A_433 = tpu.memref_squeeze %dma_wait3A_432 : memref<1x32x1024xf32, #tpu.memory_space<vmem>> -> memref<32x1024xf32, #tpu.memory_space<vmem>>
    tpu.wait_dma2 semaphore(%arg6 : memref<!tpu.dma_semaphore, #tpu.memory_space<semaphore_mem>>) src(%dma_wait3A_433 : memref<32x1024xf32, #tpu.memory_space<vmem>>) dst(%dma_wait3A_429 : memref<32x1024xf32, #tpu.memory_space<hbm>>)
    %dma_wait3A_434 = arith.constant 1 : i32
    %dma_wait3A_435 = arith.constant 0 : i32
    %dma_wait3A_436 = arith.constant 0 : i32
    %dma_wait3A_437 = tpu.memref_slice %arg4[%dma_wait3A_434, %dma_wait3A_435, %dma_wait3A_436] : memref<2x32x1024xf32, #tpu.memory_space<vmem>> -> memref<1x32x1024xf32, #tpu.memory_space<vmem>>
    %dma_wait3A_438 = tpu.memref_squeeze %dma_wait3A_437 : memref<1x32x1024xf32, #tpu.memory_space<vmem>> -> memref<32x1024xf32, #tpu.memory_space<vmem>>
    %dma_wait3A_439 = arith.constant 0 : i32
    %dma_wait3A_440 = tpu.memref_slice %arg3[%add3A_407, %dma_wait3A_439] : memref<8192x1024xf32, #tpu.memory_space<hbm>> -> memref<32x1024xf32, #tpu.memory_space<hbm>>
    %dma_wait3A_441 = arith.constant 0 : i32
    %dma_wait3A_442 = tpu.memref_slice %arg3[%add3A_407, %dma_wait3A_441] : memref<8192x1024xf32, #tpu.memory_space<hbm>> -> memref<32x1024xf32, #tpu.memory_space<hbm>>
    %dma_wait3A_443 = arith.constant 0 : i32
    %dma_wait3A_444 = arith.constant 0 : i32
    %dma_wait3A_445 = tpu.memref_slice %arg4[%dma_wait3A_434, %dma_wait3A_443, %dma_wait3A_444] : memref<2x32x1024xf32, #tpu.memory_space<vmem>> -> memref<1x32x1024xf32, #tpu.memory_space<vmem>>
    %dma_wait3A_446 = tpu.memref_squeeze %dma_wait3A_445 : memref<1x32x1024xf32, #tpu.memory_space<vmem>> -> memref<32x1024xf32, #tpu.memory_space<vmem>>
    tpu.wait_dma2 semaphore(%arg6 : memref<!tpu.dma_semaphore, #tpu.memory_space<semaphore_mem>>) src(%dma_wait3A_446 : memref<32x1024xf32, #tpu.memory_space<vmem>>) dst(%dma_wait3A_442 : memref<32x1024xf32, #tpu.memory_space<hbm>>)
    return
  }
}

</mosaic_0001>

<sc_bundles>
// kernel: kernel.3.cloned.1.call-start
scs
__scs_entry_jumppad:
0x0: {  	(pc) =	sbr.rel $0x88, $3  }
0x1: {  	(tag) =	ssettag $0x0;
	lr =	simm.s32 $0x1  }
0x2: {  	[smem:$0x3FA0] =	sst lr;
	_ =	strace $0xD0000000  }
0x3: {  	_ = 	snop  }
0x4: {  	_ = 	snop  }
0x5: {  	_ = 	snop  }
0x6: {  	_ = 	snop  }
0x7: {  	_ = 	snop  }
__scs_overlays_trampoline_lowered:
0x8: {  	[smem:$0x3FAF] =	sst s0  }
0x9: {  	[smem:$0x3FB0] =	sst s1  }
0xa: {  	[smem:$0x3FB1] =	sst s2  }
0xb: {  	[smem:$0x3FB2] =	sst s3  }
0xc: {  	[smem:$0x3FB3] =	sst s4  }
0xd: {  	[smem:$0x3FB4] =	sst s5  }
0xe: {  	[smem:$0x3FB5] =	sst s6  }
0xf: {  	[smem:$0x3FB6] =	sst s7  }
0x10: {  	[smem:$0x3FB7] =	sst s8  }
0x11: {  	[smem:$0x3FB8] =	sst s9;
	s0 =	simm.s32 @!p0 $0x0  }
0x12: {  	s1 =	sld [smem:$0x3F9E];
	s0 =	simm.s32 @p0 $0x1  }
0x13: {  	[smem:$0x3FB9] =	sst s0;
	s0 =	simm.s32 @!p1 $0x0  }
0x14: {  	s2 =	sld [smem:$0x3F9D];
	s0 =	simm.s32 @p1 $0x1  }
0x15: {  	[smem:$0x3FBA] =	sst s0;
	s0 =	simm.s32 @!p2 $0x0  }
0x16: {  	s3 =	sld [smem:$0x3FDB];
	s0 =	simm.s32 @p2 $0x1  }
0x17: {  	s4 =	simm.s32 $0x1BF5;
	[smem:$0x3FBC] =	sst s0  }
0x18: {  	s0 =	sld [smem:$0x3F9F];
	_ =	swait.ge [sflag:s4], $0x0  }
0x19: {  	s7 =	sld [smem:$0x3FA0]  }
0x1a: {  	s8 =	sadd.s32 $0xFFFFE003, lr  }
0x1b: {  	s9 =	sadd.s32 $0xFFFFFEF7, lr;
	s5 =	simm.s32 $0xFFFFFFFF;
	p2 =	slt.u32 s8, $0xFFFFF086  }
0x1c: {  	p1 =	slt.u32 s9, $0xF7A;
	s5 =	simm.s32 @!p2 $0x0  }
0x1d: {  	s5 =	simm.s32 @p1 $0x1;
	p0 =	seq.s32 s7, s2  }
0x1e: {  	s7 =	smul.u32 @!p0 $0xF7A, s2;
	p2 =	seq.s32 @!p0 s5, $0x0  }
0x1f: {  	s9 =	smul.u32 $0xF7A, s1;
	s8 =	simm.s32 @!p0 $0x1BF5;
	p2 =	por !p2, p0  }
0x20: {  	[sflag:s8] =	ssyncset.s32 @!p0 $0xFFFFF086;
	s6 =	sadd.s32 @!p0 s3, s7;
	s7 =	simm.s32 @!p0 $0x108  }
0x21: {  	s3 =	sadd.s32 s3, s9;
	s6 =	sadd.s32 @!p0 $0x88, s6;
	s7 =	simm.s32 @p2 $0x1082  }
0x22: {  	[simem:s7], [sflag:s8] =	dma.local @!p0 [hbm:s6], $0xF7A  }
0x23: {  	s9 =	sor.u32 $0xD0000000, s2;
	s6 =	simm.s32 $0x108;
	_ =	swait.ge @!p0 [sflag:s8], $0x0  }
0x24: {  	s3 =	sadd.s32 $0x88, s3;
	s6 =	simm.s32 @!p1 $0x1082;
	[sflag:s4] =	ssyncset.s32 $0xFFFFF086  }
0x25: {  	[simem:s6], [sflag:s4] =	dma.local [hbm:s3], $0xF7A  }
0x26: {  	[smem:$0x3FA0] =	sst s1;
	(tag) =	ssettag s2;
	_ =	strace s9  }
0x27: {  	s1 =	sld [smem:$0x3FB0]  }
0x28: {  	s2 =	sld [smem:$0x3FB1]  }
0x29: {  	s4 =	sld [smem:$0x3FB3]  }
0x2a: {  	p0 =	seq.s32 s5, $0x0;
	s5 =	sld [smem:$0x3FB4]  }
0x2b: {  	s6 =	sld [smem:$0x3FB5]  }
0x2c: {  	s7 =	sld [smem:$0x3FB6]  }
0x2d: {  	s3 =	simm.s32 $0x108;
	s8 =	sld [smem:$0x3FB7]  }
0x2e: {  	s3 =	simm.s32 @!p0 $0x1082;
	s9 =	sld [smem:$0x3FB8]  }
0x2f: {  	lr =	sadd.s32 s0, s3;
	s0 =	sld [smem:$0x3FAF]  }
0x30: {  	s3 =	sld [smem:$0x3FB2]  }
0x31: {  	[smem:$0x3FBB] =	sst s10  }
0x32: {  	s10 =	sld [smem:$0x3FB9];
	_ =	sdelay $0x3  }
0x33: {  	p0 =	seq.s32 s10, $0x1;
	s10 =	sld [smem:$0x3FBB];
	_ =	sdelay $0x3  }
0x34: {  	[smem:$0x3FBB] =	sst s10  }
0x35: {  	s10 =	sld [smem:$0x3FBA];
	_ =	sdelay $0x3  }
0x36: {  	p1 =	seq.s32 s10, $0x1;
	s10 =	sld [smem:$0x3FBB];
	_ =	sdelay $0x3  }
0x37: {  	[smem:$0x3FBB] =	sst s10  }
0x38: {  	s10 =	sld [smem:$0x3FBC]  }
0x39: {  	_ = 	snop;
	(pc) =	sbr.ind lr, $3  }
0x3a: {  	_ = 	snop  }
0x3b: {  	_ = 	snop  }
0x3c: {  	p2 =	seq.s32 s10, $0x1;
	s10 =	sld [smem:$0x3FBB]  }
0x3d: {  	_ =	shalt  }
0x3e: {  	_ =	shalt  }
0x3f: {  	_ =	shalt  }
0x40: {  	_ =	shalt  }
0x41: {  	_ =	shalt  }
0x42: {  	_ =	shalt  }
0x43: {  	_ =	shalt  }
0x44: {  	_ =	shalt  }
0x45: {  	_ =	shalt  }
0x46: {  	_ =	shalt  }
0x47: {  	_ =	shalt  }
0x48: {  	_ =	shalt  }
0x49: {  	_ =	shalt  }
0x4a: {  	_ =	shalt  }
0x4b: {  	_ =	shalt  }
0x4c: {  	_ =	shalt  }
0x4d: {  	_ =	shalt  }
0x4e: {  	_ =	shalt  }
0x4f: {  	_ =	shalt  }
0x50: {  	_ =	shalt  }
0x51: {  	_ =	shalt  }
0x52: {  	_ =	shalt  }
0x53: {  	_ =	shalt  }
0x54: {  	_ =	shalt  }
0x55: {  	_ =	shalt  }
0x56: {  	_ =	shalt  }
0x57: {  	_ =	shalt  }
0x58: {  	_ =	shalt  }
0x59: {  	_ =	shalt  }
0x5a: {  	_ =	shalt  }
0x5b: {  	_ =	shalt  }
0x5c: {  	_ =	shalt  }
0x5d: {  	_ =	shalt  }
0x5e: {  	_ =	shalt  }
0x5f: {  	_ =	shalt  }
0x60: {  	_ =	shalt  }
0x61: {  	_ =	shalt  }
0x62: {  	_ =	shalt  }
0x63: {  	_ =	shalt  }
0x64: {  	_ =	shalt  }
0x65: {  	_ =	shalt  }
0x66: {  	_ =	shalt  }
0x67: {  	_ =	shalt  }
0x68: {  	_ =	shalt  }
0x69: {  	_ =	shalt  }
0x6a: {  	_ =	shalt  }
0x6b: {  	_ =	shalt  }
0x6c: {  	_ =	shalt  }
0x6d: {  	_ =	shalt  }
0x6e: {  	_ =	shalt  }
0x6f: {  	_ =	shalt  }
0x70: {  	_ =	shalt  }
0x71: {  	_ =	shalt  }
0x72: {  	_ =	shalt  }
0x73: {  	_ =	shalt  }
0x74: {  	_ =	shalt  }
0x75: {  	_ =	shalt  }
0x76: {  	_ =	shalt  }
0x77: {  	_ =	shalt  }
0x78: {  	_ =	shalt  }
0x79: {  	_ =	shalt  }
0x7a: {  	_ =	shalt  }
0x7b: {  	_ =	shalt  }
0x7c: {  	_ =	shalt  }
0x7d: {  	_ =	shalt  }
0x7e: {  	_ =	shalt  }
0x7f: {  	_ =	shalt  }
0x80: {  	_ =	shalt  }
0x81: {  	_ =	shalt  }
0x82: {  	_ =	shalt  }
0x83: {  	_ =	shalt  }
0x84: {  	_ =	shalt  }
0x85: {  	_ =	shalt  }
0x86: {  	_ =	shalt  }
0x87: {  	_ =	shalt  }
.Lfunc_end0:
.L_simem_size_0:
called_computation_lowered:
.L_overlay_start_0:
0x88: {  	s2 =	sld [smem:$0x3FD9]  }
0x89: {  	s3 =	sld [smem:$0x3FFE];
	_ =	sdelay $0x1  }
0x8a: {  	s1 =	srdreg.scid  }
0x8b: {  	s0 =	sand.u32 $0x1, s1  }
0x8c: {  	s18 =	sshll.u32 s0, $0xA;
	s2 =	sadd.s32 s3, s2  }
0x8d: {  	s2 =	sadd.s32 s2, s18  }
0x8e: {  	[smem:$0x3FC7] =	sst s2  }
0x8f: {  	_ = 	snop  }
0x90: {  	s2 =	sld [smem:$0x3FC9]  }
0x91: {  	s19 =	sld [smem:$0x3FD0];
	(tm) =	ssettm $0x1  }
0x92: {  	s4 =	sld [smem:$0x3FFB];
	_ =	sdelay $0x3  }
0x93: {  	_ =	strace s4  }
0x94: {  	s4 =	sld [smem:$0x3FFC];
	_ =	sdelay $0x3  }
0x95: {  	_ =	strace s4  }
0x96: {  	s4 =	sld [smem:$0x3FFD];
	_ =	sdelay $0x3  }
0x97: {  	_ =	strace s4  }
0x98: {  	_ =	strace $0x8FFFFFFF  }
0x99: {  	s20 =	sld [smem:$0x3FDB];
	_ =	sdelay $0x1  }
0x9a: {  	s5 =	simm.s32 $_scs_section_size  }
0x9b: {  	s6 =	simm.s32 $_size__tile_overlayer_lowered;
	s7 =	simm.s32 $_tile_overlayer_lowered  }
0x9c: {  	s23 =	simm.s32 $0x1BFF;
	s22 =	sshll.u32 s7, $0x1;
	s4 =	sadd.s32 s5, s20  }
0x9d: {  	s8 =	simm.s32 $0x0;
	s21 =	sshll.u32 s6, $0x1;
	s6 =	sadd.s32 s22, s4  }
0x9e: {  	[timem:s8], [sflag:s23] =	dma.local [hbm:s6], s21  }
0x9f: {  	_ =	swait.ge [sflag:s23], s21  }
0xa0: {  	s5 =	ssub.s32 $0x0, s21;
	[sflag:s23] =	ssyncset.done $0x0  }
0xa1: {  	[sflag:s23] =	ssyncadd.s32 s5;
	_ =	sdelay $0x1  }
0xa2: {  	s24 =	simm.s32 $0x1B8B  }
0xa3: {  	_ =	swait.ge [sflag:s24], $0x1  }
0xa4: {  	[sflag:s24] =	ssyncset.done $0x0  }
0xa5: {  	s25 =	simm.s32 $0x1B8E;
	[sflag:s24] =	ssyncadd.s32 $0xFFFFFFFF  }
0xa6: {  	s26 =	simm.s32 $execute0_lowered;
	[smem:$0x3FD2] =	sst s25  }
0xa7: {  	s5 =	sshll.u32 s26, $0x1;
	_ =	strace $0x80000046;
	[dreg:$0x1] =	wrdreg $0xFFFFFFFF  }
0xa8: {  	s28 =	simm.s32 $_size_execute0_lowered;
	s4 =	sadd.s32 s4, s5;
	[dreg:$0x0] =	wrdreg $0x0  }
0xa9: {  	s5 =	sshll.u32 s28, $0x1;
	[dreg:$0x2] =	wrdreg s4  }
0xaa: {  	[dreg:$0x3] =	wrdreg s5  }
0xab: {  	[dreg:$0x4] =	wrdreg $0xC0  }
0xac: {  	_ =	task [dreg:s8], $0x5FFFF  }
0xad: {  	[dreg:$0x1] =	wrdreg $0xFFFFFFFF  }
0xae: {  	[dreg:$0x0] =	wrdreg $0x60  }
0xaf: {  	[dreg:$0x2] =	wrdreg s2  }
0xb0: {  	[dreg:$0x3] =	wrdreg s19  }
0xb1: {  	[dreg:$0x4] =	wrdreg $0x9  }
0xb2: {  	_ =	task.clear_ibuf [dreg:s8], $0x5FFFF;
	_ =	strace $0x90000046  }
0xb3: {  	s29 =	simm.s32 $0x9;
	_ =	strace $0x80000048  }
0xb4: {  	_ =	swait.ge [sflag:s29], $0x1  }
0xb5: {  	[sflag:s29] =	ssyncadd.s32 $0xFFFFFFFF  }
0xb6: {  	_ =	strace $0x90000048  }
0xb7: {  	_ =	sfence  }
0xb8: {  	s30 =	sld [smem:$0x0];
	_ =	sdelay $0x2  }
0xb9: {  	s31 =	sshll.u32 s1, $0xD;
	s1 =	sshrl.u32 s1, $0x2  }
0xba: {  	s3 =	sand.u32 $0x4000, s31;
	s1 =	sadd.s32 s1, s30  }
0xbb: {  	s0 =	sor.u32 s3, s0;
	s1 =	sshll.u32 s1, $0x11  }
0xbc: {  	s0 =	sor.u32 s1, s0  }
0xbd: {  	s0 =	sadd.s32 $0x8F2B, s0  }
0xbe: {  	[sflag:s0] =	ssyncadd.remote.s32 $0x1  }
0xbf: {  	_ =	sfence.sel $0xFFFF  }
0xc0: {  	[dreg:$0x0] =	wrdreg $0xFFFFFFFF;
	(pc) =	sbr.abs _section_cstart, $3  }
0xc1: {  	[dreg:$0x1] =	wrdreg $0xFFFFFFFF  }
0xc2: {  	_ =	task.clear_ibuf [dreg:s8], $0x2FFFF;
	_ =	strace $0x9FFFFFFF  }
0xc3: {  	(tm) =	ssettm $0x7FFFFFFF  }
tec
execute0_lowered:
.L_overlay_start_1:
0x0: {  	(tag) =	ssettag $0x1  }
0x1: {  	s20 =	rddreg [dreg:$0x0]  }
0x2: {  	s21 =	rddreg [dreg:$0x1];
	s2 =	srdreg.scid  }
0x3: {  	s0 =	rddreg [dreg:$0x2];
	s1 =	stileid.u32;
	s22 =	sand.u32 $0x1, s2  }
0x4: {  	s2 =	simm.s32 $0x0;
	s3 =	sshll.u32 s1, $0x10;
	s4 =	sshll.u32 s22, $0xF  }
0x5: {  	[smem:$0x7FF] =	sst s2;
	s23 =	sor.u32 s4, s3  }
0x6: {  	_ =	strace $0x80000047;
	s4 =	simm.s32 $0x1;
	s3 =	sadd.s32 s20, s23  }
0x7: {  	[tilespmem:s2], [sflag:$0x1] =	stream.linear.gather [hbm4b:s3+s2], $0x8000, $0x38;
	[tilespmem:$0x10000] =	vst v63  }
0x8: {  	_ =	swait.ge [sflag:s4], $0x8000  }
0x9: {  	[sflag:s4] =	ssyncset.done $0x0  }
0xa: {  	s5 =	sadd.s32 s21, s23;
	s8 =	sor.u32 $0x1000, s23;
	[sflag:s4] =	ssyncadd.s32 $0xFFFF8000  }
0xb: {  	[hbm4b:s5+s2] =	stream.linear.scatter [tilespmem:s2], [sflag:$0x2], $0x8000, $0x38;
	[tilespmem:$0x10000] =	vst v63  }
0xc: {  	s7 =	simm.s32 $0x8000;
	s6 =	sadd.s32 s20, s8  }
0xd: {  	[tilespmem:s7], [sflag:$0x1] =	stream.linear.gather [hbm4b:s6+s2], $0x8000, $0x38;
	[tilespmem:$0x10000] =	vst v63  }
0xe: {  	_ =	swait.ge [sflag:s4], $0x8000  }
0xf: {  	[sflag:s4] =	ssyncset.done $0x0  }
0x10: {  	s9 =	sadd.s32 s21, s8;
	s8 =	simm.s32 $0x2;
	[sflag:s4] =	ssyncadd.s32 $0xFFFF8000  }
0x11: {  	[hbm4b:s9+s2] =	stream.linear.scatter [tilespmem:s7], [sflag:$0x2], $0x8000, $0x38;
	[tilespmem:$0x10000] =	vst v63  }
0x12: {  	_ =	swait.ge [sflag:s8], $0x8000  }
0x13: {  	s11 =	sor.u32 $0x2000, s23;
	[sflag:s8] =	ssyncset.done $0x0  }
0x14: {  	s10 =	sadd.s32 s20, s11;
	[sflag:s8] =	ssyncadd.s32 $0xFFFF8000  }
0x15: {  	[tilespmem:s2], [sflag:$0x1] =	stream.linear.gather [hbm4b:s10+s2], $0x8000, $0x38;
	[tilespmem:$0x10000] =	vst v63  }
0x16: {  	_ =	swait.ge [sflag:s4], $0x8000  }
0x17: {  	[sflag:s4] =	ssyncset.done $0x0  }
0x18: {  	s11 =	sadd.s32 s21, s11;
	[sflag:s4] =	ssyncadd.s32 $0xFFFF8000  }
0x19: {  	[hbm4b:s11+s2] =	stream.linear.scatter [tilespmem:s2], [sflag:$0x2], $0x8000, $0x38;
	[tilespmem:$0x10000] =	vst v63  }
0x1a: {  	_ =	swait.ge [sflag:s8], $0x8000  }
0x1b: {  	s13 =	sor.u32 $0x3000, s23;
	[sflag:s8] =	ssyncset.done $0x0  }
0x1c: {  	s12 =	sadd.s32 s20, s13;
	[sflag:s8] =	ssyncadd.s32 $0xFFFF8000  }
0x1d: {  	[tilespmem:s7], [sflag:$0x1] =	stream.linear.gather [hbm4b:s12+s2], $0x8000, $0x38;
	[tilespmem:$0x10000] =	vst v63  }
0x1e: {  	_ =	swait.ge [sflag:s4], $0x8000  }
0x1f: {  	[sflag:s4] =	ssyncset.done $0x0  }
0x20: {  	s13 =	sadd.s32 s21, s13;
	[sflag:s4] =	ssyncadd.s32 $0xFFFF8000  }
0x21: {  	[hbm4b:s13+s2] =	stream.linear.scatter [tilespmem:s7], [sflag:$0x2], $0x8000, $0x38;
	[tilespmem:$0x10000] =	vst v63  }
0x22: {  	_ =	swait.ge [sflag:s8], $0x8000  }
0x23: {  	s15 =	sor.u32 $0x4000, s23;
	[sflag:s8] =	ssyncset.done $0x0  }
0x24: {  	s14 =	sadd.s32 s20, s15;
	[sflag:s8] =	ssyncadd.s32 $0xFFFF8000  }
0x25: {  	[tilespmem:s2], [sflag:$0x1] =	stream.linear.gather [hbm4b:s14+s2], $0x8000, $0x38;
	[tilespmem:$0x10000] =	vst v63  }
0x26: {  	_ =	swait.ge [sflag:s4], $0x8000  }
0x27: {  	[sflag:s4] =	ssyncset.done $0x0  }
0x28: {  	s15 =	sadd.s32 s21, s15;
	[sflag:s4] =	ssyncadd.s32 $0xFFFF8000  }
0x29: {  	[hbm4b:s15+s2] =	stream.linear.scatter [tilespmem:s2], [sflag:$0x2], $0x8000, $0x38;
	[tilespmem:$0x10000] =	vst v63  }
0x2a: {  	_ =	swait.ge [sflag:s8], $0x8000  }
0x2b: {  	s17 =	sor.u32 $0x5000, s23;
	[sflag:s8] =	ssyncset.done $0x0  }
0x2c: {  	s16 =	sadd.s32 s20, s17;
	[sflag:s8] =	ssyncadd.s32 $0xFFFF8000  }
0x2d: {  	[tilespmem:s7], [sflag:$0x1] =	stream.linear.gather [hbm4b:s16+s2], $0x8000, $0x38;
	[tilespmem:$0x10000] =	vst v63  }
0x2e: {  	_ =	swait.ge [sflag:s4], $0x8000  }
0x2f: {  	[sflag:s4] =	ssyncset.done $0x0  }
0x30: {  	s17 =	sadd.s32 s21, s17;
	[sflag:s4] =	ssyncadd.s32 $0xFFFF8000  }
0x31: {  	[hbm4b:s17+s2] =	stream.linear.scatter [tilespmem:s7], [sflag:$0x2], $0x8000, $0x38;
	[tilespmem:$0x10000] =	vst v63  }
0x32: {  	_ =	swait.ge [sflag:s8], $0x8000  }
0x33: {  	s19 =	sor.u32 $0x6000, s23;
	[sflag:s8] =	ssyncset.done $0x0  }
0x34: {  	s18 =	sadd.s32 s20, s19;
	[sflag:s8] =	ssyncadd.s32 $0xFFFF8000  }
0x35: {  	[tilespmem:s2], [sflag:$0x1] =	stream.linear.gather [hbm4b:s18+s2], $0x8000, $0x38;
	[tilespmem:$0x10000] =	vst v63  }
0x36: {  	_ =	swait.ge [sflag:s4], $0x8000  }
0x37: {  	[sflag:s4] =	ssyncset.done $0x0  }
0x38: {  	s19 =	sadd.s32 s21, s19;
	[sflag:s4] =	ssyncadd.s32 $0xFFFF8000  }
0x39: {  	[hbm4b:s19+s2] =	stream.linear.scatter [tilespmem:s2], [sflag:$0x2], $0x8000, $0x38;
	[tilespmem:$0x10000] =	vst v63  }
0x3a: {  	_ =	swait.ge [sflag:s8], $0x8000  }
0x3b: {  	s22 =	ssub.s32 $0x2, s22;
	s23 =	sor.u32 $0x7000, s23;
	[sflag:s8] =	ssyncset.done $0x0  }
0x3c: {  	s31 =	sshrl.u32 s22, $0x1;
	s20 =	sadd.s32 s20, s23;
	[sflag:s8] =	ssyncadd.s32 $0xFFFF8000  }
0x3d: {  	[tilespmem:s7], [sflag:$0x1] =	stream.linear.gather [hbm4b:s20+s2], $0x8000, $0x38;
	[tilespmem:$0x10000] =	vst v63  }
0x3e: {  	s22 =	ssub.s32 s22, s31;
	_ =	swait.ge [sflag:s4], $0x8000  }
0x3f: {  	s22 =	smax.u32 s22, $0x1;
	[sflag:s4] =	ssyncset.done $0x0  }
0x40: {  	s21 =	sadd.s32 s21, s23;
	p0 =	sne.s32 s22, $0x1;
	[sflag:s4] =	ssyncadd.s32 $0xFFFF8000  }
0x41: {  	[hbm4b:s21+s2] =	stream.linear.scatter [tilespmem:s7], [sflag:$0x2], $0x8000, $0x38;
	[tilespmem:$0x10000] =	vst v63  }
.Ltmp0:
0x42: {  	_ =	swait.ge [sflag:s8], $0x8000;
	(pc) =	sbr.rel @!p0 .LBB2_2-.Ltmp0, $4  }
0x43: {  	[sflag:s8] =	ssyncset.done $0x0  }
0x44: {  	[sflag:s8] =	ssyncadd.s32 $0xFFFF8000  }
0x45: {  	_ =	swait.ge [sflag:s8], $0x8000  }
0x46: {  	s22 =	sadd.s32 $0xFFFFFFFF, s22;
	[sflag:s8] =	ssyncset.done $0x0  }
.LBB2_1:
0x47: {  	p0 =	sne.s32 s22, $0x1;
	s22 =	sadd.s32 $0xFFFFFFFF, s22;
	[sflag:s8] =	ssyncadd.s32 $0xFFFF8000  }
0x48: {  	[tilespmem:s2], [sflag:$0x1] =	stream.linear.gather [hbm4b:s3+s2], $0x8000, $0x38;
	[tilespmem:$0x10000] =	vst v63  }
0x49: {  	_ =	swait.ge [sflag:s4], $0x8000  }
0x4a: {  	[sflag:s4] =	ssyncset.done $0x0  }
0x4b: {  	[sflag:s4] =	ssyncadd.s32 $0xFFFF8000  }
0x4c: {  	[hbm4b:s5+s2] =	stream.linear.scatter [tilespmem:s2], [sflag:$0x2], $0x8000, $0x38;
	[tilespmem:$0x10000] =	vst v63  }
0x4d: {  	_ = 	snop  }
0x4e: {  	[tilespmem:s7], [sflag:$0x1] =	stream.linear.gather [hbm4b:s6+s2], $0x8000, $0x38;
	[tilespmem:$0x10000] =	vst v63  }
0x4f: {  	_ =	swait.ge [sflag:s4], $0x8000  }
0x50: {  	[sflag:s4] =	ssyncset.done $0x0  }
0x51: {  	[sflag:s4] =	ssyncadd.s32 $0xFFFF8000  }
0x52: {  	[hbm4b:s9+s2] =	stream.linear.scatter [tilespmem:s7], [sflag:$0x2], $0x8000, $0x38;
	[tilespmem:$0x10000] =	vst v63  }
0x53: {  	_ =	swait.ge [sflag:s8], $0x8000  }
0x54: {  	[sflag:s8] =	ssyncset.done $0x0  }
0x55: {  	[sflag:s8] =	ssyncadd.s32 $0xFFFF8000  }
0x56: {  	[tilespmem:s2], [sflag:$0x1] =	stream.linear.gather [hbm4b:s10+s2], $0x8000, $0x38;
	[tilespmem:$0x10000] =	vst v63  }
0x57: {  	_ =	swait.ge [sflag:s4], $0x8000  }
0x58: {  	[sflag:s4] =	ssyncset.done $0x0  }
0x59: {  	[sflag:s4] =	ssyncadd.s32 $0xFFFF8000  }
0x5a: {  	[hbm4b:s11+s2] =	stream.linear.scatter [tilespmem:s2], [sflag:$0x2], $0x8000, $0x38;
	[tilespmem:$0x10000] =	vst v63  }
0x5b: {  	_ =	swait.ge [sflag:s8], $0x8000  }
0x5c: {  	[sflag:s8] =	ssyncset.done $0x0  }
0x5d: {  	[sflag:s8] =	ssyncadd.s32 $0xFFFF8000  }
0x5e: {  	[tilespmem:s7], [sflag:$0x1] =	stream.linear.gather [hbm4b:s12+s2], $0x8000, $0x38;
	[tilespmem:$0x10000] =	vst v63  }
0x5f: {  	_ =	swait.ge [sflag:s4], $0x8000  }
0x60: {  	[sflag:s4] =	ssyncset.done $0x0  }
0x61: {  	[sflag:s4] =	ssyncadd.s32 $0xFFFF8000  }
0x62: {  	[hbm4b:s13+s2] =	stream.linear.scatter [tilespmem:s7], [sflag:$0x2], $0x8000, $0x38;
	[tilespmem:$0x10000] =	vst v63  }
0x63: {  	_ =	swait.ge [sflag:s8], $0x8000  }
0x64: {  	[sflag:s8] =	ssyncset.done $0x0  }
0x65: {  	[sflag:s8] =	ssyncadd.s32 $0xFFFF8000  }
0x66: {  	[tilespmem:s2], [sflag:$0x1] =	stream.linear.gather [hbm4b:s14+s2], $0x8000, $0x38;
	[tilespmem:$0x10000] =	vst v63  }
0x67: {  	_ =	swait.ge [sflag:s4], $0x8000  }
0x68: {  	[sflag:s4] =	ssyncset.done $0x0  }
0x69: {  	[sflag:s4] =	ssyncadd.s32 $0xFFFF8000  }
0x6a: {  	[hbm4b:s15+s2] =	stream.linear.scatter [tilespmem:s2], [sflag:$0x2], $0x8000, $0x38;
	[tilespmem:$0x10000] =	vst v63  }
0x6b: {  	_ =	swait.ge [sflag:s8], $0x8000  }
0x6c: {  	[sflag:s8] =	ssyncset.done $0x0  }
0x6d: {  	[sflag:s8] =	ssyncadd.s32 $0xFFFF8000  }
0x6e: {  	[tilespmem:s7], [sflag:$0x1] =	stream.linear.gather [hbm4b:s16+s2], $0x8000, $0x38;
	[tilespmem:$0x10000] =	vst v63  }
0x6f: {  	_ =	swait.ge [sflag:s4], $0x8000  }
0x70: {  	[sflag:s4] =	ssyncset.done $0x0  }
0x71: {  	[sflag:s4] =	ssyncadd.s32 $0xFFFF8000  }
0x72: {  	[hbm4b:s17+s2] =	stream.linear.scatter [tilespmem:s7], [sflag:$0x2], $0x8000, $0x38;
	[tilespmem:$0x10000] =	vst v63  }
0x73: {  	_ =	swait.ge [sflag:s8], $0x8000  }
0x74: {  	[sflag:s8] =	ssyncset.done $0x0  }
0x75: {  	[sflag:s8] =	ssyncadd.s32 $0xFFFF8000  }
0x76: {  	[tilespmem:s2], [sflag:$0x1] =	stream.linear.gather [hbm4b:s18+s2], $0x8000, $0x38;
	[tilespmem:$0x10000] =	vst v63  }
0x77: {  	_ =	swait.ge [sflag:s4], $0x8000  }
0x78: {  	[sflag:s4] =	ssyncset.done $0x0  }
0x79: {  	[sflag:s4] =	ssyncadd.s32 $0xFFFF8000  }
0x7a: {  	[hbm4b:s19+s2] =	stream.linear.scatter [tilespmem:s2], [sflag:$0x2], $0x8000, $0x38;
	[tilespmem:$0x10000] =	vst v63  }
0x7b: {  	_ =	swait.ge [sflag:s8], $0x8000  }
0x7c: {  	[sflag:s8] =	ssyncset.done $0x0  }
0x7d: {  	[sflag:s8] =	ssyncadd.s32 $0xFFFF8000  }
0x7e: {  	[tilespmem:s7], [sflag:$0x1] =	stream.linear.gather [hbm4b:s20+s2], $0x8000, $0x38;
	[tilespmem:$0x10000] =	vst v63  }
0x7f: {  	_ =	swait.ge [sflag:s4], $0x8000  }
0x80: {  	[sflag:s4] =	ssyncset.done $0x0  }
0x81: {  	[sflag:s4] =	ssyncadd.s32 $0xFFFF8000  }
0x82: {  	[hbm4b:s21+s2] =	stream.linear.scatter [tilespmem:s7], [sflag:$0x2], $0x8000, $0x38;
	[tilespmem:$0x10000] =	vst v63  }
.Ltmp1:
0x83: {  	_ =	swait.ge [sflag:s8], $0x8000;
	(pc) =	sbr.rel @p0 .LBB2_1-.Ltmp1, $4  }
0x84: {  	[sflag:s8] =	ssyncset.done $0x0  }
0x85: {  	[sflag:s8] =	ssyncadd.s32 $0xFFFF8000  }
0x86: {  	_ =	swait.ge [sflag:s8], $0x8000  }
0x87: {  	[sflag:s8] =	ssyncset.done $0x0  }
.LBB2_2:
0x88: {  	[sflag:s8] =	ssyncadd.s32 $0xFFFF8000  }
0x89: {  	_ =	sfence.sel $0x180000  }
0x8a: {  	[bflag:$0x0] =	sbarrier.arrive $0xFFFF  }
0x8b: {  	p0 =	sne.s32 s1, $0x0;
	_ =	strace $0x90000047  }
0x8c: {  	s0 =	sadd.s32 @!p0 $0x100000, s0;
	[bflag:$0x2] =	sbarrier.arrive $0xFFFF  }
0x8d: {  	[sflag:s0] =	ssyncadd.tile.s32 @!p0 $0x1;
	_ =	shalt  }
.Lfunc_end2:
_tile_overlayer_lowered:
.L_overlay_start_2:
0x8e: {  	(tag) =	ssettag $0x2  }
0x8f: {  	s0 =	rddreg [dreg:$0x0];
	s2 =	stileid.u32  }
0x90: {  	s1 =	rddreg [dreg:$0x1];
	p0 =	sne.s32 s2, $0x0  }
0x91: {  	s3 =	rddreg [dreg:$0x2];
	[bflag:$0x3] =	sbarrier.arrive $0xFFFF;
	s2 =	simm.s32 @!p0 $0x1C03  }
0x92: {  	[timem:s3], [sflag:s2] =	dma.local @!p0 [hbm:s0], s1  }
0x93: {  	s0 =	simm.s32 @!p0 $0x3  }
0x94: {  	_ =	swait.ge @!p0 [sflag:s0], s1  }
0x95: {  	s1 =	ssub.s32 @!p0 $0x0, s1;
	[sflag:s0] =	ssyncset.done @!p0 $0x0  }
0x96: {  	[sflag:s0] =	ssyncadd.s32 @!p0 s1  }
0x97: {  	[bflag:$0x3] =	sbarrier.arrive $0xFFFF  }
0x98: {  	_ =	shalt  }

</sc_bundles>
